<compile_context>
chip_gen: v7x
topology: tpu7x:2x2x1
jax: 0.10.2.dev20260603
libtpu: 0.0.44.dev20260713+nightly
codegen_flags: <defaults>
</compile_context>

<pallas_src>
import jax
import jax.numpy as jnp
from jax.experimental import pallas as pl
from jax.experimental.pallas import tpu as pltpu
from jax.experimental.pallas import tpu_sc as plsc

TCOLS = 20480
WINDOW = 128
WB = 8192


def _repack_table(tab_t):
    D, V = tab_t.shape

    def body(in_ref, out_ref):
        out_ref[:, :D] = in_ref[...].T

    return pl.pallas_call(
        body,
        grid=(pl.cdiv(V, TCOLS),),
        in_specs=[pl.BlockSpec((D, TCOLS), lambda i: (0, i))],
        out_specs=pl.BlockSpec((TCOLS, 128), lambda i: (i, 0)),
        out_shape=jax.ShapeDtypeStruct((V, 128), tab_t.dtype),
    )(tab_t)


def _tail_transpose(rows3, B, S, D):

    def body(in_ref, out_ref):
        x = in_ref[0]
        out_ref[0] = x[:, :D].T

    return pl.pallas_call(
        body,
        grid=(S, B // WB),
        in_specs=[pl.BlockSpec((1, WB, 128), lambda s, b: (s, b, 0))],
        out_specs=pl.BlockSpec((1, D, WB), lambda s, b: (s, 0, b)),
        out_shape=jax.ShapeDtypeStruct((S, D, B), rows3.dtype),
    )(rows3)


def kernel(input_tokens, table):
    B, S = input_tokens.shape
    V, D = table.shape

    tab_p = _repack_table(table.T)
    idx_t = input_tokens.T

    mesh = plsc.VectorSubcoreMesh(core_axis_name="core", subcore_axis_name="subcore")

    @pl.kernel(
        out_type=jax.ShapeDtypeStruct((S, B, 128), table.dtype),
        mesh=mesh,
    )
    def gather_kernel(tab_hbm, idx_hbm, out_hbm):
        def body(i_vmem, o_vmem):
            pltpu.sync_copy(
                tab_hbm.at[i_vmem.at[0, pl.ds(0, WINDOW)]],
                o_vmem.at[0, pl.ds(0, WINDOW)],
            )
            pltpu.sync_copy(
                tab_hbm.at[i_vmem.at[0, pl.ds(WINDOW, WINDOW)]],
                o_vmem.at[0, pl.ds(WINDOW, WINDOW)],
            )

        pltpu.emit_pipeline(
            body,
            grid=(S, B // (2 * WINDOW)),
            in_specs=[pl.BlockSpec((1, 2 * WINDOW), index_map=lambda s, b: (s, b))],
            out_specs=[
                pl.BlockSpec((1, 2 * WINDOW, 128), index_map=lambda s, b: (s, b, 0))
            ],
            core_axis_name=("core", "subcore"),
            dimension_semantics=(pltpu.PARALLEL, pltpu.PARALLEL),
        )(idx_hbm, out_hbm)

    rows3 = gather_kernel(tab_p, idx_t)
    out_sdb = _tail_transpose(rows3, B, S, D)
    return jnp.transpose(out_sdb, (2, 0, 1))

# --- scband reference (transcript-rebuilt; emitter-appended) ---
"""Pipeline reference for scband-embedding-layer-76605036691990 (READ-ONLY COPY).

The authoritative reference and input builder live on the scoring server;
editing this copy changes nothing except your own understanding.
"""

import jax, jax.numpy as jnp
import numpy as np

VOCAB = 1000000
D_MODEL = 64

def setup_inputs(seed: int = 0) -> dict:
    key = jax.random.key(seed)
    k_idx, k_tab = jax.random.split(key)
    input_tokens = jax.random.randint(k_idx, (16384, 20), 0, VOCAB, dtype=jnp.int64 if jax.config.jax_enable_x64 else jnp.int32)
    table = jax.random.normal(k_tab, (VOCAB, D_MODEL), dtype=jnp.float32)
    return {"input_tokens": input_tokens, "table": table}

def reference(input_tokens, table):
    # nn.Embedding forward: gather rows of the embedding table
    return jnp.take(table, input_tokens, axis=0)

if __name__ == "__main__":
    import jax
    _d = setup_inputs()
    print(jax.jit(kernel)(*tuple(_d.values())))

</pallas_src>

<mosaic_0001>
#map = affine_map<(d0, d1) -> (0, 0)>
#map1 = affine_map<(d0, d1) -> (0, 0, 0)>
module attributes {stable_mosaic.version = 14 : i64} {
  func.func @gather_kernel(%arg0: i32, %arg1: i32, %arg2: memref<1000000x128xf32, #tpu.memory_space<hbm>>, %arg3: memref<20x16384xi32, #tpu.memory_space<hbm>>, %arg4: memref<20x16384x128xf32, #tpu.memory_space<hbm>>) attributes {dimension_semantics = [#tpu.dimension_semantics<core_parallel>, #tpu.dimension_semantics<subcore_parallel>], iteration_bounds = array<i64: 2, 16>, scalar_prefetch = 0 : i64, scratch_operands = 0 : i64, tpu.core_type = #tpu.core_type<sc_vector_subcore>, window_params = [{transform_indices = #map}, {transform_indices = #map}, {transform_indices = #map1}]} {
    %mul3A = arith.constant 1 : i32
    %mul3A_0 = arith.muli %arg1, %mul3A : i32
    %add3A = arith.constant 0 : i32
    %add3A_1 = arith.addi %add3A, %mul3A_0 : i32
    %mul3A_2 = arith.constant 16 : i32
    %mul3A_3 = arith.muli %arg0, %mul3A_2 : i32
    %add3A_4 = arith.addi %add3A_1, %mul3A_3 : i32
    %mul3A_5 = arith.constant 2 : i32
    %mul3A_6 = arith.muli %add3A_4, %mul3A_5 : i32
    "tpu.region"() ({
      %run_scoped3A = memref.alloca() : memref<2x1x256xi32, #tpu.memory_space<vmem>>
      %run_scoped3A_7 = tpu.sem_alloc : memref<2x!tpu.dma_semaphore, #tpu.memory_space<semaphore_mem>>
      %run_scoped3A_8 = memref.alloca() : memref<2x1x256x128xf32, #tpu.memory_space<vmem>>
      %run_scoped3A_9 = tpu.sem_alloc : memref<2x!tpu.dma_semaphore, #tpu.memory_space<semaphore_mem>>
      %add3A_10 = arith.constant 0 : i32
      %add3A_11 = arith.addi %add3A_10, %mul3A_6 : i32
      %select_n3A = arith.constant true
      %select_n3A_12 = arith.constant 0 : i32
      %select_n3A_13 = arith.constant -1 : i32
      %select_n3A_14 = arith.select %select_n3A, %select_n3A_13, %select_n3A_12 : i32
      %eq3A = arith.constant -1 : i32
      %eq3A_15 = arith.cmpi eq, %select_n3A_14, %eq3A : i32
      %select_n3A_16 = arith.constant 1 : i32
      %select_n3A_17 = arith.select %eq3A_15, %select_n3A_16, %select_n3A_14 : i32
      %select_n3A_18 = arith.constant 0 : i32
      %select_n3A_19 = arith.constant -1 : i32
      %select_n3A_20 = arith.select %eq3A_15, %select_n3A_19, %select_n3A_18 : i32
      %eq3A_21 = arith.constant -1 : i32
      %eq3A_22 = arith.cmpi eq, %select_n3A_20, %eq3A_21 : i32
      %select_n3A_23 = arith.constant 19 : i32
      %select_n3A_24 = arith.select %eq3A_22, %select_n3A_23, %select_n3A_20 : i32
      %add3A_25 = arith.constant 0 : i32
      %add3A_26 = arith.addi %select_n3A_24, %add3A_25 : i32
      %add3A_27 = arith.addi %select_n3A_17, %mul3A_6 : i32
      %select_n3A_28 = arith.constant true
      %select_n3A_29 = arith.constant 0 : i32
      %select_n3A_30 = arith.constant 1 : i32
      %select_n3A_31 = arith.select %select_n3A_28, %select_n3A_30, %select_n3A_29 : i32
      %eq3A_32 = arith.constant 2 : i32
      %eq3A_33 = arith.cmpi eq, %select_n3A_31, %eq3A_32 : i32
      %select_n3A_34 = arith.constant 0 : i32
      %select_n3A_35 = arith.select %eq3A_33, %select_n3A_34, %select_n3A_31 : i32
      %select_n3A_36 = arith.constant 0 : i32
      %select_n3A_37 = arith.constant 1 : i32
      %select_n3A_38 = arith.select %eq3A_33, %select_n3A_37, %select_n3A_36 : i32
      %eq3A_39 = arith.constant 20 : i32
      %eq3A_40 = arith.cmpi eq, %select_n3A_38, %eq3A_39 : i32
      %select_n3A_41 = arith.constant 0 : i32
      %select_n3A_42 = arith.select %eq3A_40, %select_n3A_41, %select_n3A_38 : i32
      %add3A_43 = arith.constant 0 : i32
      %add3A_44 = arith.addi %select_n3A_42, %add3A_43 : i32
      %add3A_45 = arith.addi %select_n3A_35, %mul3A_6 : i32
      %add3A_46 = arith.constant 1 : i32
      %add3A_47 = arith.addi %select_n3A_35, %add3A_46 : i32
      %select_n3A_48 = arith.constant true
      %select_n3A_49 = arith.select %select_n3A_48, %add3A_47, %select_n3A_35 : i32
      %eq3A_50 = arith.constant 2 : i32
      %eq3A_51 = arith.cmpi eq, %select_n3A_49, %eq3A_50 : i32
      %select_n3A_52 = arith.constant 0 : i32
      %select_n3A_53 = arith.select %eq3A_51, %select_n3A_52, %select_n3A_49 : i32
      %add3A_54 = arith.constant 1 : i32
      %add3A_55 = arith.addi %select_n3A_42, %add3A_54 : i32
      %select_n3A_56 = arith.select %eq3A_51, %add3A_55, %select_n3A_42 : i32
      %eq3A_57 = arith.constant 20 : i32
      %eq3A_58 = arith.cmpi eq, %select_n3A_56, %eq3A_57 : i32
      %select_n3A_59 = arith.constant 0 : i32
      %select_n3A_60 = arith.select %eq3A_58, %select_n3A_59, %select_n3A_56 : i32
      %add3A_61 = arith.constant 0 : i32
      %add3A_62 = arith.addi %select_n3A_60, %add3A_61 : i32
      %add3A_63 = arith.addi %select_n3A_53, %mul3A_6 : i32
      "tpu.trace_start"() <{level = 10 : i32, message = "ep_initialize_0"}> : () -> ()
      %rem3A = arith.constant 0 : i32
      %rem3A_64 = arith.constant 2 : i32
      %rem3A_65 = arith.remui %rem3A, %rem3A_64 : i32
      %mul3A_66 = arith.constant 256 : i32
      %mul3A_67 = arith.muli %mul3A_66, %add3A_11 : i32
      %dma_start3A = arith.constant 0 : i32
      %dma_start3A_68 = arith.constant 0 : i32
      %dma_start3A_69 = tpu.memref_slice %run_scoped3A[%rem3A_65, %dma_start3A, %dma_start3A_68] : memref<2x1x256xi32, #tpu.memory_space<vmem>> -> memref<1x1x256xi32, #tpu.memory_space<vmem>>
      %dma_start3A_70 = tpu.memref_squeeze %dma_start3A_69 : memref<1x1x256xi32, #tpu.memory_space<vmem>> -> memref<1x256xi32, #tpu.memory_space<vmem>>
      %dma_start3A_71 = arith.constant 0 : i32
      %dma_start3A_72 = tpu.memref_slice %arg3[%dma_start3A_71, %mul3A_67] : memref<20x16384xi32, #tpu.memory_space<hbm>> -> memref<1x256xi32, #tpu.memory_space<hbm>>
      %dma_start3A_73 = tpu.memref_slice %run_scoped3A_7[%rem3A_65] : memref<2x!tpu.dma_semaphore, #tpu.memory_space<semaphore_mem>> -> memref<1x!tpu.dma_semaphore, #tpu.memory_space<semaphore_mem>>
      %dma_start3A_74 = tpu.memref_squeeze %dma_start3A_73 : memref<1x!tpu.dma_semaphore, #tpu.memory_space<semaphore_mem>> -> memref<!tpu.dma_semaphore, #tpu.memory_space<semaphore_mem>>
      %dma_start3A_75 = arith.constant 0 : i32
      %dma_start3A_76 = arith.constant 0 : i32
      %dma_start3A_77 = tpu.memref_slice %run_scoped3A[%rem3A_65, %dma_start3A_75, %dma_start3A_76] : memref<2x1x256xi32, #tpu.memory_space<vmem>> -> memref<1x1x256xi32, #tpu.memory_space<vmem>>
      %dma_start3A_78 = tpu.memref_squeeze %dma_start3A_77 : memref<1x1x256xi32, #tpu.memory_space<vmem>> -> memref<1x256xi32, #tpu.memory_space<vmem>>
      %dma_start3A_79 = arith.constant 0 : i32
      %dma_start3A_80 = tpu.memref_slice %arg3[%dma_start3A_79, %mul3A_67] : memref<20x16384xi32, #tpu.memory_space<hbm>> -> memref<1x256xi32, #tpu.memory_space<hbm>>
      tpu.enqueue_dma source(%dma_start3A_80 : memref<1x256xi32, #tpu.memory_space<hbm>>) target(%dma_start3A_78 : memref<1x256xi32, #tpu.memory_space<vmem>>) target_semaphore(%dma_start3A_74 : memref<!tpu.dma_semaphore, #tpu.memory_space<semaphore_mem>>)
      %add3A_81 = arith.constant 0 : i32
      %add3A_82 = arith.constant 1 : i32
      %add3A_83 = arith.addi %add3A_81, %add3A_82 : i32
      %select_n3A_84 = arith.constant true
      %select_n3A_85 = arith.constant 0 : i32
      %select_n3A_86 = arith.select %select_n3A_84, %add3A_83, %select_n3A_85 : i32
      "tpu.trace_stop"() : () -> ()
      %scan3A = arith.constant 0 : i32
      %scan3A_87 = arith.constant 0 : i32
      %scan3A_88 = arith.constant 0 : i32
      %scan3A_89 = arith.constant 0 : i32
      %scan3A_90 = arith.constant 0 : i32
      %scan3A_91 = arith.constant 0 : i32
      %scan3A_92 = arith.constant 40 : i32
      %scan3A_93 = arith.addi %scan3A_91, %scan3A_92 : i32
      %scan3A_94 = arith.constant 1 : i32
      %scan3A_95:6 = scf.for %scan3A_189 = %scan3A_91 to %scan3A_93 step %scan3A_94 iter_args(%scan3A_190 = %select_n3A_86, %scan3A_191 = %scan3A, %scan3A_192 = %scan3A_87, %scan3A_193 = %scan3A_88, %scan3A_194 = %scan3A_89, %scan3A_195 = %scan3A_90) -> (i32, i32, i32, i32, i32, i32)  : i32 {
        %eq3A_196 = arith.constant 0 : i32
        %eq3A_197 = arith.cmpi eq, %scan3A_189, %eq3A_196 : i32
        %eq3A_198 = arith.constant 39 : i32
        %eq3A_199 = arith.cmpi eq, %scan3A_189, %eq3A_198 : i32
        %add3A_200 = arith.constant 0 : i32
        %add3A_201 = arith.addi %scan3A_194, %add3A_200 : i32
        %add3A_202 = arith.addi %scan3A_195, %mul3A_6 : i32
        %sub3A_203 = arith.constant 1 : i32
        %sub3A_204 = arith.subi %scan3A_195, %sub3A_203 : i32
        %select_n3A_205 = arith.constant true
        %select_n3A_206 = arith.select %select_n3A_205, %sub3A_204, %scan3A_195 : i32
        %eq3A_207 = arith.constant -1 : i32
        %eq3A_208 = arith.cmpi eq, %select_n3A_206, %eq3A_207 : i32
        %select_n3A_209 = arith.constant 1 : i32
        %select_n3A_210 = arith.select %eq3A_208, %select_n3A_209, %select_n3A_206 : i32
        %sub3A_211 = arith.constant 1 : i32
        %sub3A_212 = arith.subi %scan3A_194, %sub3A_211 : i32
        %select_n3A_213 = arith.select %eq3A_208, %sub3A_212, %scan3A_194 : i32
        %eq3A_214 = arith.constant -1 : i32
        %eq3A_215 = arith.cmpi eq, %select_n3A_213, %eq3A_214 : i32
        %select_n3A_216 = arith.constant 19 : i32
        %select_n3A_217 = arith.select %eq3A_215, %select_n3A_216, %select_n3A_213 : i32
        %add3A_218 = arith.constant 0 : i32
        %add3A_219 = arith.addi %select_n3A_217, %add3A_218 : i32
        %add3A_220 = arith.addi %select_n3A_210, %mul3A_6 : i32
        %add3A_221 = arith.constant 1 : i32
        %add3A_222 = arith.addi %scan3A_195, %add3A_221 : i32
        %select_n3A_223 = arith.constant true
        %select_n3A_224 = arith.select %select_n3A_223, %add3A_222, %scan3A_195 : i32
        %eq3A_225 = arith.constant 2 : i32
        %eq3A_226 = arith.cmpi eq, %select_n3A_224, %eq3A_225 : i32
        %select_n3A_227 = arith.constant 0 : i32
        %select_n3A_228 = arith.select %eq3A_226, %select_n3A_227, %select_n3A_224 : i32
        %add3A_229 = arith.constant 1 : i32
        %add3A_230 = arith.addi %scan3A_194, %add3A_229 : i32
        %select_n3A_231 = arith.select %eq3A_226, %add3A_230, %scan3A_194 : i32
        %eq3A_232 = arith.constant 20 : i32
        %eq3A_233 = arith.cmpi eq, %select_n3A_231, %eq3A_232 : i32
        %select_n3A_234 = arith.constant 0 : i32
        %select_n3A_235 = arith.select %eq3A_233, %select_n3A_234, %select_n3A_231 : i32
        %add3A_236 = arith.constant 0 : i32
        %add3A_237 = arith.addi %select_n3A_235, %add3A_236 : i32
        %add3A_238 = arith.addi %select_n3A_228, %mul3A_6 : i32
        %add3A_239 = arith.constant 1 : i32
        %add3A_240 = arith.addi %select_n3A_228, %add3A_239 : i32
        %select_n3A_241 = arith.constant true
        %select_n3A_242 = arith.select %select_n3A_241, %add3A_240, %select_n3A_228 : i32
        %eq3A_243 = arith.constant 2 : i32
        %eq3A_244 = arith.cmpi eq, %select_n3A_242, %eq3A_243 : i32
        %select_n3A_245 = arith.constant 0 : i32
        %select_n3A_246 = arith.select %eq3A_244, %select_n3A_245, %select_n3A_242 : i32
        %add3A_247 = arith.constant 1 : i32
        %add3A_248 = arith.addi %select_n3A_235, %add3A_247 : i32
        %select_n3A_249 = arith.select %eq3A_244, %add3A_248, %select_n3A_235 : i32
        %eq3A_250 = arith.constant 20 : i32
        %eq3A_251 = arith.cmpi eq, %select_n3A_249, %eq3A_250 : i32
        %select_n3A_252 = arith.constant 0 : i32
        %select_n3A_253 = arith.select %eq3A_251, %select_n3A_252, %select_n3A_249 : i32
        %add3A_254 = arith.constant 0 : i32
        %add3A_255 = arith.addi %select_n3A_253, %add3A_254 : i32
        %add3A_256 = arith.addi %select_n3A_246, %mul3A_6 : i32
        %ne3A = arith.cmpi ne, %add3A_201, %add3A_237 : i32
        %ne3A_257 = arith.cmpi ne, %add3A_202, %add3A_238 : i32
        %or3A = arith.constant false
        %or3A_258 = arith.ori %or3A, %ne3A : i1
        %or3A_259 = arith.ori %or3A_258, %ne3A_257 : i1
        %ge3A = arith.constant 39 : i32
        %ge3A_260 = arith.cmpi sge, %scan3A_189, %ge3A : i32
        %not3A = arith.constant true
        %not3A_261 = arith.xori %ge3A_260, %not3A : i1
        %and3A = arith.andi %or3A_259, %not3A_261 : i1
        %convert_element_type3A = arith.extui %and3A : i1 to i32
        %cond3A = arith.constant 0 : i32
        %cond3A_262 = arith.cmpi ne, %convert_element_type3A, %cond3A : i32
        scf.if %cond3A_262 {
          "tpu.trace_start"() <{level = 10 : i32, message = "ep_copy_in"}> : () -> ()
          %rem3A_390 = arith.constant 2 : i32
          %rem3A_391 = arith.remui %scan3A_190, %rem3A_390 : i32
          %mul3A_392 = arith.constant 1 : i32
          %mul3A_393 = arith.muli %mul3A_392, %add3A_237 : i32
          %mul3A_394 = arith.constant 256 : i32
          %mul3A_395 = arith.muli %mul3A_394, %add3A_238 : i32
          %dma_start3A_396 = arith.constant 0 : i32
          %dma_start3A_397 = arith.constant 0 : i32
          %dma_start3A_398 = tpu.memref_slice %run_scoped3A[%rem3A_391, %dma_start3A_396, %dma_start3A_397] : memref<2x1x256xi32, #tpu.memory_space<vmem>> -> memref<1x1x256xi32, #tpu.memory_space<vmem>>
          %dma_start3A_399 = tpu.memref_squeeze %dma_start3A_398 : memref<1x1x256xi32, #tpu.memory_space<vmem>> -> memref<1x256xi32, #tpu.memory_space<vmem>>
          %dma_start3A_400 = tpu.memref_slice %arg3[%mul3A_393, %mul3A_395] : memref<20x16384xi32, #tpu.memory_space<hbm>> -> memref<1x256xi32, #tpu.memory_space<hbm>>
          %dma_start3A_401 = tpu.memref_slice %run_scoped3A_7[%rem3A_391] : memref<2x!tpu.dma_semaphore, #tpu.memory_space<semaphore_mem>> -> memref<1x!tpu.dma_semaphore, #tpu.memory_space<semaphore_mem>>
          %dma_start3A_402 = tpu.memref_squeeze %dma_start3A_401 : memref<1x!tpu.dma_semaphore, #tpu.memory_space<semaphore_mem>> -> memref<!tpu.dma_semaphore, #tpu.memory_space<semaphore_mem>>
          %dma_start3A_403 = arith.constant 0 : i32
          %dma_start3A_404 = arith.constant 0 : i32
          %dma_start3A_405 = tpu.memref_slice %run_scoped3A[%rem3A_391, %dma_start3A_403, %dma_start3A_404] : memref<2x1x256xi32, #tpu.memory_space<vmem>> -> memref<1x1x256xi32, #tpu.memory_space<vmem>>
          %dma_start3A_406 = tpu.memref_squeeze %dma_start3A_405 : memref<1x1x256xi32, #tpu.memory_space<vmem>> -> memref<1x256xi32, #tpu.memory_space<vmem>>
          %dma_start3A_407 = tpu.memref_slice %arg3[%mul3A_393, %mul3A_395] : memref<20x16384xi32, #tpu.memory_space<hbm>> -> memref<1x256xi32, #tpu.memory_space<hbm>>
          tpu.enqueue_dma source(%dma_start3A_407 : memref<1x256xi32, #tpu.memory_space<hbm>>) target(%dma_start3A_406 : memref<1x256xi32, #tpu.memory_space<vmem>>) target_semaphore(%dma_start3A_402 : memref<!tpu.dma_semaphore, #tpu.memory_space<semaphore_mem>>)
          "tpu.trace_stop"() : () -> ()
        } else {
        }
        %and3A_263 = arith.constant true
        %and3A_264 = arith.andi %and3A, %and3A_263 : i1
        %add3A_265 = arith.constant 1 : i32
        %add3A_266 = arith.addi %scan3A_190, %add3A_265 : i32
        %select_n3A_267 = arith.select %and3A_264, %add3A_266, %scan3A_190 : i32
        %ne3A_268 = arith.cmpi ne, %add3A_201, %add3A_237 : i32
        %ne3A_269 = arith.cmpi ne, %add3A_202, %add3A_238 : i32
        %or3A_270 = arith.constant false
        %or3A_271 = arith.ori %or3A_270, %ne3A_268 : i1
        %or3A_272 = arith.ori %or3A_271, %ne3A_269 : i1
        %or3A_273 = arith.constant false
        %or3A_274 = arith.ori %or3A_272, %or3A_273 : i1
        %ge3A_275 = arith.constant 39 : i32
        %ge3A_276 = arith.cmpi sge, %scan3A_189, %ge3A_275 : i32
        %not3A_277 = arith.constant true
        %not3A_278 = arith.xori %ge3A_276, %not3A_277 : i1
        %and3A_279 = arith.andi %or3A_274, %not3A_278 : i1
        %ne3A_280 = arith.cmpi ne, %add3A_201, %add3A_219 : i32
        %ne3A_281 = arith.cmpi ne, %add3A_202, %add3A_220 : i32
        %or3A_282 = arith.constant false
        %or3A_283 = arith.ori %or3A_282, %ne3A_280 : i1
        %or3A_284 = arith.ori %or3A_283, %ne3A_281 : i1
        %or3A_285 = arith.ori %or3A_284, %eq3A_197 : i1
        %convert_element_type3A_286 = arith.extui %or3A_285 : i1 to i32
        %cond3A_287 = arith.constant 0 : i32
        %cond3A_288 = arith.cmpi ne, %convert_element_type3A_286, %cond3A_287 : i32
        scf.if %cond3A_288 {
          "tpu.trace_start"() <{level = 10 : i32, message = "ep_wait_in"}> : () -> ()
          %mul3A_390 = arith.constant 1 : i32
          %mul3A_391 = arith.muli %mul3A_390, %add3A_201 : i32
          %mul3A_392 = arith.constant 256 : i32
          %mul3A_393 = arith.muli %mul3A_392, %add3A_202 : i32
          %rem3A_394 = arith.constant 2 : i32
          %rem3A_395 = arith.remui %scan3A_191, %rem3A_394 : i32
          %dma_wait3A_396 = arith.constant 0 : i32
          %dma_wait3A_397 = arith.constant 0 : i32
          %dma_wait3A_398 = tpu.memref_slice %run_scoped3A[%rem3A_395, %dma_wait3A_396, %dma_wait3A_397] : memref<2x1x256xi32, #tpu.memory_space<vmem>> -> memref<1x1x256xi32, #tpu.memory_space<vmem>>
          %dma_wait3A_399 = tpu.memref_squeeze %dma_wait3A_398 : memref<1x1x256xi32, #tpu.memory_space<vmem>> -> memref<1x256xi32, #tpu.memory_space<vmem>>
          %dma_wait3A_400 = tpu.memref_slice %arg3[%mul3A_391, %mul3A_393] : memref<20x16384xi32, #tpu.memory_space<hbm>> -> memref<1x256xi32, #tpu.memory_space<hbm>>
          %dma_wait3A_401 = tpu.memref_slice %run_scoped3A_7[%rem3A_395] : memref<2x!tpu.dma_semaphore, #tpu.memory_space<semaphore_mem>> -> memref<1x!tpu.dma_semaphore, #tpu.memory_space<semaphore_mem>>
          %dma_wait3A_402 = tpu.memref_squeeze %dma_wait3A_401 : memref<1x!tpu.dma_semaphore, #tpu.memory_space<semaphore_mem>> -> memref<!tpu.dma_semaphore, #tpu.memory_space<semaphore_mem>>
          %dma_wait3A_403 = arith.constant 0 : i32
          %dma_wait3A_404 = arith.constant 0 : i32
          %dma_wait3A_405 = tpu.memref_slice %run_scoped3A[%rem3A_395, %dma_wait3A_403, %dma_wait3A_404] : memref<2x1x256xi32, #tpu.memory_space<vmem>> -> memref<1x1x256xi32, #tpu.memory_space<vmem>>
          %dma_wait3A_406 = tpu.memref_squeeze %dma_wait3A_405 : memref<1x1x256xi32, #tpu.memory_space<vmem>> -> memref<1x256xi32, #tpu.memory_space<vmem>>
          %dma_wait3A_407 = tpu.memref_slice %arg3[%mul3A_391, %mul3A_393] : memref<20x16384xi32, #tpu.memory_space<hbm>> -> memref<1x256xi32, #tpu.memory_space<hbm>>
          tpu.wait_dma2 semaphore(%dma_wait3A_402 : memref<!tpu.dma_semaphore, #tpu.memory_space<semaphore_mem>>) src(%dma_wait3A_407 : memref<1x256xi32, #tpu.memory_space<hbm>>) dst(%dma_wait3A_406 : memref<1x256xi32, #tpu.memory_space<vmem>>)
          "tpu.trace_stop"() : () -> ()
        } else {
        }
        %ne3A_289 = arith.cmpi ne, %add3A_201, %add3A_219 : i32
        %ne3A_290 = arith.cmpi ne, %add3A_202, %add3A_220 : i32
        %or3A_291 = arith.constant false
        %or3A_292 = arith.ori %or3A_291, %ne3A_289 : i1
        %or3A_293 = arith.ori %or3A_292, %ne3A_290 : i1
        %or3A_294 = arith.constant false
        %or3A_295 = arith.ori %or3A_293, %or3A_294 : i1
        %or3A_296 = arith.ori %or3A_295, %eq3A_197 : i1
        %convert_element_type3A_297 = arith.extui %or3A_296 : i1 to i32
        %cond3A_298 = arith.constant 0 : i32
        %cond3A_299 = arith.cmpi ne, %convert_element_type3A_297, %cond3A_298 : i32
        scf.if %cond3A_299 {
        } else {
        }
        %rem3A_300 = arith.constant 2 : i32
        %rem3A_301 = arith.remui %scan3A_191, %rem3A_300 : i32
        %rem3A_302 = arith.constant 2 : i32
        %rem3A_303 = arith.remui %scan3A_192, %rem3A_302 : i32
        %run_scoped3A_304 = arith.constant 0 : i32
        %run_scoped3A_305 = arith.constant 0 : i32
        "tpu.trace_start"() <{level = 10 : i32, message = "ep_run_kernel"}> : () -> ()
        "tpu.region"() ({
          %run_scoped3A_390 = tpu.sem_alloc : memref<!tpu.dma_semaphore, #tpu.memory_space<semaphore_mem>>
          %dma_start3A_391 = arith.constant 0 : i32
          %dma_start3A_392 = arith.constant 0 : i32
          %dma_start3A_393 = arith.constant 0 : i32
          %dma_start3A_394 = tpu.memref_slice %run_scoped3A_8[%rem3A_303, %dma_start3A_391, %dma_start3A_392, %dma_start3A_393] : memref<2x1x256x128xf32, #tpu.memory_space<vmem>> -> memref<1x1x256x128xf32, #tpu.memory_space<vmem>>
          %dma_start3A_395 = tpu.memref_squeeze %dma_start3A_394 : memref<1x1x256x128xf32, #tpu.memory_space<vmem>> -> memref<1x256x128xf32, #tpu.memory_space<vmem>>
          %dma_start3A_396 = arith.constant 0 : i32
          %dma_start3A_397 = arith.constant 0 : i32
          %dma_start3A_398 = tpu.memref_slice %dma_start3A_395[%run_scoped3A_305, %dma_start3A_396, %dma_start3A_397] : memref<1x256x128xf32, #tpu.memory_space<vmem>> -> memref<1x128x128xf32, #tpu.memory_space<vmem>>
          %dma_start3A_399 = tpu.memref_squeeze %dma_start3A_398 : memref<1x128x128xf32, #tpu.memory_space<vmem>> -> memref<128x128xf32, #tpu.memory_space<vmem>>
          %dma_start3A_400 = arith.constant 0 : i32
          %dma_start3A_401 = arith.constant 0 : i32
          %dma_start3A_402 = tpu.memref_slice %run_scoped3A[%rem3A_301, %dma_start3A_400, %dma_start3A_401] : memref<2x1x256xi32, #tpu.memory_space<vmem>> -> memref<1x1x256xi32, #tpu.memory_space<vmem>>
          %dma_start3A_403 = tpu.memref_squeeze %dma_start3A_402 : memref<1x1x256xi32, #tpu.memory_space<vmem>> -> memref<1x256xi32, #tpu.memory_space<vmem>>
          %dma_start3A_404 = arith.constant 0 : i32
          %dma_start3A_405 = tpu.memref_slice %dma_start3A_403[%run_scoped3A_304, %dma_start3A_404] : memref<1x256xi32, #tpu.memory_space<vmem>> -> memref<1x128xi32, #tpu.memory_space<vmem>>
          %dma_start3A_406 = tpu.memref_squeeze %dma_start3A_405 : memref<1x128xi32, #tpu.memory_space<vmem>> -> memref<128xi32, #tpu.memory_space<vmem>>
          %dma_start3A_407 = arith.constant 0 : i32
          %dma_start3A_408 = arith.constant 0 : i32
          %dma_start3A_409 = tpu.memref_slice %arg2[%dma_start3A_407, %dma_start3A_408] : memref<1000000x128xf32, #tpu.memory_space<hbm>> -> memref<1000000x128xf32, #tpu.memory_space<hbm>>
          tpu.enqueue_indirect_dma source(%dma_start3A_409 : memref<1000000x128xf32, #tpu.memory_space<hbm>>) target(%dma_start3A_399 : memref<128x128xf32, #tpu.memory_space<vmem>>) offsets(%dma_start3A_406 : memref<128xi32, #tpu.memory_space<vmem>>) semaphore(%run_scoped3A_390 : memref<!tpu.dma_semaphore, #tpu.memory_space<semaphore_mem>>)
          %dma_wait3A_410 = arith.constant 0 : i32
          %dma_wait3A_411 = arith.constant 0 : i32
          %dma_wait3A_412 = arith.constant 0 : i32
          %dma_wait3A_413 = tpu.memref_slice %run_scoped3A_8[%rem3A_303, %dma_wait3A_410, %dma_wait3A_411, %dma_wait3A_412] : memref<2x1x256x128xf32, #tpu.memory_space<vmem>> -> memref<1x1x256x128xf32, #tpu.memory_space<vmem>>
          %dma_wait3A_414 = tpu.memref_squeeze %dma_wait3A_413 : memref<1x1x256x128xf32, #tpu.memory_space<vmem>> -> memref<1x256x128xf32, #tpu.memory_space<vmem>>
          %dma_wait3A_415 = arith.constant 0 : i32
          %dma_wait3A_416 = arith.constant 0 : i32
          %dma_wait3A_417 = tpu.memref_slice %dma_wait3A_414[%run_scoped3A_305, %dma_wait3A_415, %dma_wait3A_416] : memref<1x256x128xf32, #tpu.memory_space<vmem>> -> memref<1x128x128xf32, #tpu.memory_space<vmem>>
          %dma_wait3A_418 = tpu.memref_squeeze %dma_wait3A_417 : memref<1x128x128xf32, #tpu.memory_space<vmem>> -> memref<128x128xf32, #tpu.memory_space<vmem>>
          %dma_wait3A_419 = arith.constant 0 : i32
          %dma_wait3A_420 = arith.constant 0 : i32
          %dma_wait3A_421 = tpu.memref_slice %run_scoped3A[%rem3A_301, %dma_wait3A_419, %dma_wait3A_420] : memref<2x1x256xi32, #tpu.memory_space<vmem>> -> memref<1x1x256xi32, #tpu.memory_space<vmem>>
          %dma_wait3A_422 = tpu.memref_squeeze %dma_wait3A_421 : memref<1x1x256xi32, #tpu.memory_space<vmem>> -> memref<1x256xi32, #tpu.memory_space<vmem>>
          %dma_wait3A_423 = arith.constant 0 : i32
          %dma_wait3A_424 = tpu.memref_slice %dma_wait3A_422[%run_scoped3A_304, %dma_wait3A_423] : memref<1x256xi32, #tpu.memory_space<vmem>> -> memref<1x128xi32, #tpu.memory_space<vmem>>
          %dma_wait3A_425 = tpu.memref_squeeze %dma_wait3A_424 : memref<1x128xi32, #tpu.memory_space<vmem>> -> memref<128xi32, #tpu.memory_space<vmem>>
          %dma_wait3A_426 = arith.constant 0 : i32
          %dma_wait3A_427 = arith.constant 0 : i32
          %dma_wait3A_428 = tpu.memref_slice %arg2[%dma_wait3A_426, %dma_wait3A_427] : memref<1000000x128xf32, #tpu.memory_space<hbm>> -> memref<1000000x128xf32, #tpu.memory_space<hbm>>
          tpu.wait_indirect_dma semaphore(%run_scoped3A_390 : memref<!tpu.dma_semaphore, #tpu.memory_space<semaphore_mem>>) src(%dma_wait3A_428 : memref<1000000x128xf32, #tpu.memory_space<hbm>>) dst(%dma_wait3A_418 : memref<128x128xf32, #tpu.memory_space<vmem>>)
          tpu.yield
        }) : () -> ()
        %run_scoped3A_306 = arith.constant 0 : i32
        %run_scoped3A_307 = arith.constant 0 : i32
        "tpu.region"() ({
          %run_scoped3A_390 = tpu.sem_alloc : memref<!tpu.dma_semaphore, #tpu.memory_space<semaphore_mem>>
          %dma_start3A_391 = arith.constant 0 : i32
          %dma_start3A_392 = arith.constant 0 : i32
          %dma_start3A_393 = arith.constant 0 : i32
          %dma_start3A_394 = tpu.memref_slice %run_scoped3A_8[%rem3A_303, %dma_start3A_391, %dma_start3A_392, %dma_start3A_393] : memref<2x1x256x128xf32, #tpu.memory_space<vmem>> -> memref<1x1x256x128xf32, #tpu.memory_space<vmem>>
          %dma_start3A_395 = tpu.memref_squeeze %dma_start3A_394 : memref<1x1x256x128xf32, #tpu.memory_space<vmem>> -> memref<1x256x128xf32, #tpu.memory_space<vmem>>
          %dma_start3A_396 = arith.constant 128 : i32
          %dma_start3A_397 = arith.constant 0 : i32
          %dma_start3A_398 = tpu.memref_slice %dma_start3A_395[%run_scoped3A_307, %dma_start3A_396, %dma_start3A_397] : memref<1x256x128xf32, #tpu.memory_space<vmem>> -> memref<1x128x128xf32, #tpu.memory_space<vmem>>
          %dma_start3A_399 = tpu.memref_squeeze %dma_start3A_398 : memref<1x128x128xf32, #tpu.memory_space<vmem>> -> memref<128x128xf32, #tpu.memory_space<vmem>>
          %dma_start3A_400 = arith.constant 0 : i32
          %dma_start3A_401 = arith.constant 0 : i32
          %dma_start3A_402 = tpu.memref_slice %run_scoped3A[%rem3A_301, %dma_start3A_400, %dma_start3A_401] : memref<2x1x256xi32, #tpu.memory_space<vmem>> -> memref<1x1x256xi32, #tpu.memory_space<vmem>>
          %dma_start3A_403 = tpu.memref_squeeze %dma_start3A_402 : memref<1x1x256xi32, #tpu.memory_space<vmem>> -> memref<1x256xi32, #tpu.memory_space<vmem>>
          %dma_start3A_404 = arith.constant 128 : i32
          %dma_start3A_405 = tpu.memref_slice %dma_start3A_403[%run_scoped3A_306, %dma_start3A_404] : memref<1x256xi32, #tpu.memory_space<vmem>> -> memref<1x128xi32, #tpu.memory_space<vmem>>
          %dma_start3A_406 = tpu.memref_squeeze %dma_start3A_405 : memref<1x128xi32, #tpu.memory_space<vmem>> -> memref<128xi32, #tpu.memory_space<vmem>>
          %dma_start3A_407 = arith.constant 0 : i32
          %dma_start3A_408 = arith.constant 0 : i32
          %dma_start3A_409 = tpu.memref_slice %arg2[%dma_start3A_407, %dma_start3A_408] : memref<1000000x128xf32, #tpu.memory_space<hbm>> -> memref<1000000x128xf32, #tpu.memory_space<hbm>>
          tpu.enqueue_indirect_dma source(%dma_start3A_409 : memref<1000000x128xf32, #tpu.memory_space<hbm>>) target(%dma_start3A_399 : memref<128x128xf32, #tpu.memory_space<vmem>>) offsets(%dma_start3A_406 : memref<128xi32, #tpu.memory_space<vmem>>) semaphore(%run_scoped3A_390 : memref<!tpu.dma_semaphore, #tpu.memory_space<semaphore_mem>>)
          %dma_wait3A_410 = arith.constant 0 : i32
          %dma_wait3A_411 = arith.constant 0 : i32
          %dma_wait3A_412 = arith.constant 0 : i32
          %dma_wait3A_413 = tpu.memref_slice %run_scoped3A_8[%rem3A_303, %dma_wait3A_410, %dma_wait3A_411, %dma_wait3A_412] : memref<2x1x256x128xf32, #tpu.memory_space<vmem>> -> memref<1x1x256x128xf32, #tpu.memory_space<vmem>>
          %dma_wait3A_414 = tpu.memref_squeeze %dma_wait3A_413 : memref<1x1x256x128xf32, #tpu.memory_space<vmem>> -> memref<1x256x128xf32, #tpu.memory_space<vmem>>
          %dma_wait3A_415 = arith.constant 128 : i32
          %dma_wait3A_416 = arith.constant 0 : i32
          %dma_wait3A_417 = tpu.memref_slice %dma_wait3A_414[%run_scoped3A_307, %dma_wait3A_415, %dma_wait3A_416] : memref<1x256x128xf32, #tpu.memory_space<vmem>> -> memref<1x128x128xf32, #tpu.memory_space<vmem>>
          %dma_wait3A_418 = tpu.memref_squeeze %dma_wait3A_417 : memref<1x128x128xf32, #tpu.memory_space<vmem>> -> memref<128x128xf32, #tpu.memory_space<vmem>>
          %dma_wait3A_419 = arith.constant 0 : i32
          %dma_wait3A_420 = arith.constant 0 : i32
          %dma_wait3A_421 = tpu.memref_slice %run_scoped3A[%rem3A_301, %dma_wait3A_419, %dma_wait3A_420] : memref<2x1x256xi32, #tpu.memory_space<vmem>> -> memref<1x1x256xi32, #tpu.memory_space<vmem>>
          %dma_wait3A_422 = tpu.memref_squeeze %dma_wait3A_421 : memref<1x1x256xi32, #tpu.memory_space<vmem>> -> memref<1x256xi32, #tpu.memory_space<vmem>>
          %dma_wait3A_423 = arith.constant 128 : i32
          %dma_wait3A_424 = tpu.memref_slice %dma_wait3A_422[%run_scoped3A_306, %dma_wait3A_423] : memref<1x256xi32, #tpu.memory_space<vmem>> -> memref<1x128xi32, #tpu.memory_space<vmem>>
          %dma_wait3A_425 = tpu.memref_squeeze %dma_wait3A_424 : memref<1x128xi32, #tpu.memory_space<vmem>> -> memref<128xi32, #tpu.memory_space<vmem>>
          %dma_wait3A_426 = arith.constant 0 : i32
          %dma_wait3A_427 = arith.constant 0 : i32
          %dma_wait3A_428 = tpu.memref_slice %arg2[%dma_wait3A_426, %dma_wait3A_427] : memref<1000000x128xf32, #tpu.memory_space<hbm>> -> memref<1000000x128xf32, #tpu.memory_space<hbm>>
          tpu.wait_indirect_dma semaphore(%run_scoped3A_390 : memref<!tpu.dma_semaphore, #tpu.memory_space<semaphore_mem>>) src(%dma_wait3A_428 : memref<1000000x128xf32, #tpu.memory_space<hbm>>) dst(%dma_wait3A_418 : memref<128x128xf32, #tpu.memory_space<vmem>>)
          tpu.yield
        }) : () -> ()
        "tpu.trace_stop"() : () -> ()
        %ne3A_308 = arith.cmpi ne, %add3A_201, %add3A_237 : i32
        %ne3A_309 = arith.cmpi ne, %add3A_202, %add3A_238 : i32
        %or3A_310 = arith.constant false
        %or3A_311 = arith.ori %or3A_310, %ne3A_308 : i1
        %or3A_312 = arith.ori %or3A_311, %ne3A_309 : i1
        %or3A_313 = arith.ori %or3A_312, %eq3A_199 : i1
        %convert_element_type3A_314 = arith.extui %or3A_313 : i1 to i32
        %cond3A_315 = arith.constant 0 : i32
        %cond3A_316 = arith.cmpi ne, %convert_element_type3A_314, %cond3A_315 : i32
        scf.if %cond3A_316 {
        } else {
        }
        %and3A_317 = arith.constant false
        %and3A_318 = arith.andi %or3A_313, %and3A_317 : i1
        %ne3A_319 = arith.cmpi ne, %add3A_201, %add3A_237 : i32
        %ne3A_320 = arith.cmpi ne, %add3A_202, %add3A_238 : i32
        %or3A_321 = arith.constant false
        %or3A_322 = arith.ori %or3A_321, %ne3A_319 : i1
        %or3A_323 = arith.ori %or3A_322, %ne3A_320 : i1
        %or3A_324 = arith.constant false
        %or3A_325 = arith.ori %or3A_323, %or3A_324 : i1
        %or3A_326 = arith.ori %or3A_325, %eq3A_199 : i1
        %convert_element_type3A_327 = arith.extui %or3A_326 : i1 to i32
        %cond3A_328 = arith.constant 0 : i32
        %cond3A_329 = arith.cmpi ne, %convert_element_type3A_327, %cond3A_328 : i32
        scf.if %cond3A_329 {
          "tpu.trace_start"() <{level = 10 : i32, message = "ep_copy_out"}> : () -> ()
          %rem3A_390 = arith.constant 2 : i32
          %rem3A_391 = arith.remui %scan3A_192, %rem3A_390 : i32
          %mul3A_392 = arith.constant 1 : i32
          %mul3A_393 = arith.muli %mul3A_392, %add3A_201 : i32
          %mul3A_394 = arith.constant 256 : i32
          %mul3A_395 = arith.muli %mul3A_394, %add3A_202 : i32
          %dma_start3A_396 = arith.constant 0 : i32
          %dma_start3A_397 = arith.constant 0 : i32
          %dma_start3A_398 = arith.constant 0 : i32
          %dma_start3A_399 = tpu.memref_slice %run_scoped3A_8[%rem3A_391, %dma_start3A_396, %dma_start3A_397, %dma_start3A_398] : memref<2x1x256x128xf32, #tpu.memory_space<vmem>> -> memref<1x1x256x128xf32, #tpu.memory_space<vmem>>
          %dma_start3A_400 = tpu.memref_squeeze %dma_start3A_399 : memref<1x1x256x128xf32, #tpu.memory_space<vmem>> -> memref<1x256x128xf32, #tpu.memory_space<vmem>>
          %dma_start3A_401 = arith.constant 0 : i32
          %dma_start3A_402 = tpu.memref_slice %arg4[%mul3A_393, %mul3A_395, %dma_start3A_401] : memref<20x16384x128xf32, #tpu.memory_space<hbm>> -> memref<1x256x128xf32, #tpu.memory_space<hbm>>
          %dma_start3A_403 = tpu.memref_slice %run_scoped3A_9[%rem3A_391] : memref<2x!tpu.dma_semaphore, #tpu.memory_space<semaphore_mem>> -> memref<1x!tpu.dma_semaphore, #tpu.memory_space<semaphore_mem>>
          %dma_start3A_404 = tpu.memref_squeeze %dma_start3A_403 : memref<1x!tpu.dma_semaphore, #tpu.memory_space<semaphore_mem>> -> memref<!tpu.dma_semaphore, #tpu.memory_space<semaphore_mem>>
          %dma_start3A_405 = arith.constant 0 : i32
          %dma_start3A_406 = tpu.memref_slice %arg4[%mul3A_393, %mul3A_395, %dma_start3A_405] : memref<20x16384x128xf32, #tpu.memory_space<hbm>> -> memref<1x256x128xf32, #tpu.memory_space<hbm>>
          %dma_start3A_407 = arith.constant 0 : i32
          %dma_start3A_408 = arith.constant 0 : i32
          %dma_start3A_409 = arith.constant 0 : i32
          %dma_start3A_410 = tpu.memref_slice %run_scoped3A_8[%rem3A_391, %dma_start3A_407, %dma_start3A_408, %dma_start3A_409] : memref<2x1x256x128xf32, #tpu.memory_space<vmem>> -> memref<1x1x256x128xf32, #tpu.memory_space<vmem>>
          %dma_start3A_411 = tpu.memref_squeeze %dma_start3A_410 : memref<1x1x256x128xf32, #tpu.memory_space<vmem>> -> memref<1x256x128xf32, #tpu.memory_space<vmem>>
          tpu.enqueue_dma source(%dma_start3A_411 : memref<1x256x128xf32, #tpu.memory_space<vmem>>) target(%dma_start3A_406 : memref<1x256x128xf32, #tpu.memory_space<hbm>>) target_semaphore(%dma_start3A_404 : memref<!tpu.dma_semaphore, #tpu.memory_space<semaphore_mem>>)
          "tpu.trace_stop"() : () -> ()
        } else {
        }
        %and3A_330 = arith.constant true
        %and3A_331 = arith.andi %or3A_326, %and3A_330 : i1
        %add3A_332 = arith.constant 1 : i32
        %add3A_333 = arith.addi %scan3A_192, %add3A_332 : i32
        %select_n3A_334 = arith.select %and3A_331, %add3A_333, %scan3A_192 : i32
        %ne3A_335 = arith.cmpi ne, %add3A_201, %add3A_219 : i32
        %ne3A_336 = arith.cmpi ne, %add3A_202, %add3A_220 : i32
        %or3A_337 = arith.constant false
        %or3A_338 = arith.ori %or3A_337, %ne3A_335 : i1
        %or3A_339 = arith.ori %or3A_338, %ne3A_336 : i1
        %not3A_340 = arith.constant true
        %not3A_341 = arith.xori %eq3A_197, %not3A_340 : i1
        %and3A_342 = arith.andi %or3A_339, %not3A_341 : i1
        %convert_element_type3A_343 = arith.extui %and3A_342 : i1 to i32
        %cond3A_344 = arith.constant 0 : i32
        %cond3A_345 = arith.cmpi ne, %convert_element_type3A_343, %cond3A_344 : i32
        scf.if %cond3A_345 {
        } else {
        }
        %and3A_346 = arith.constant false
        %and3A_347 = arith.andi %and3A_342, %and3A_346 : i1
        %ne3A_348 = arith.cmpi ne, %add3A_201, %add3A_219 : i32
        %ne3A_349 = arith.cmpi ne, %add3A_202, %add3A_220 : i32
        %or3A_350 = arith.constant false
        %or3A_351 = arith.ori %or3A_350, %ne3A_348 : i1
        %or3A_352 = arith.ori %or3A_351, %ne3A_349 : i1
        %or3A_353 = arith.constant false
        %or3A_354 = arith.ori %or3A_352, %or3A_353 : i1
        %not3A_355 = arith.constant true
        %not3A_356 = arith.xori %eq3A_197, %not3A_355 : i1
        %and3A_357 = arith.andi %or3A_354, %not3A_356 : i1
        %convert_element_type3A_358 = arith.extui %and3A_357 : i1 to i32
        %cond3A_359 = arith.constant 0 : i32
        %cond3A_360 = arith.cmpi ne, %convert_element_type3A_358, %cond3A_359 : i32
        scf.if %cond3A_360 {
          "tpu.trace_start"() <{level = 10 : i32, message = "ep_wait_out"}> : () -> ()
          %rem3A_390 = arith.constant 2 : i32
          %rem3A_391 = arith.remui %scan3A_193, %rem3A_390 : i32
          %mul3A_392 = arith.constant 1 : i32
          %mul3A_393 = arith.muli %mul3A_392, %add3A_219 : i32
          %mul3A_394 = arith.constant 256 : i32
          %mul3A_395 = arith.muli %mul3A_394, %add3A_220 : i32
          %dma_wait3A_396 = arith.constant 0 : i32
          %dma_wait3A_397 = arith.constant 0 : i32
          %dma_wait3A_398 = arith.constant 0 : i32
          %dma_wait3A_399 = tpu.memref_slice %run_scoped3A_8[%rem3A_391, %dma_wait3A_396, %dma_wait3A_397, %dma_wait3A_398] : memref<2x1x256x128xf32, #tpu.memory_space<vmem>> -> memref<1x1x256x128xf32, #tpu.memory_space<vmem>>
          %dma_wait3A_400 = tpu.memref_squeeze %dma_wait3A_399 : memref<1x1x256x128xf32, #tpu.memory_space<vmem>> -> memref<1x256x128xf32, #tpu.memory_space<vmem>>
          %dma_wait3A_401 = arith.constant 0 : i32
          %dma_wait3A_402 = tpu.memref_slice %arg4[%mul3A_393, %mul3A_395, %dma_wait3A_401] : memref<20x16384x128xf32, #tpu.memory_space<hbm>> -> memref<1x256x128xf32, #tpu.memory_space<hbm>>
          %dma_wait3A_403 = tpu.memref_slice %run_scoped3A_9[%rem3A_391] : memref<2x!tpu.dma_semaphore, #tpu.memory_space<semaphore_mem>> -> memref<1x!tpu.dma_semaphore, #tpu.memory_space<semaphore_mem>>
          %dma_wait3A_404 = tpu.memref_squeeze %dma_wait3A_403 : memref<1x!tpu.dma_semaphore, #tpu.memory_space<semaphore_mem>> -> memref<!tpu.dma_semaphore, #tpu.memory_space<semaphore_mem>>
          %dma_wait3A_405 = arith.constant 0 : i32
          %dma_wait3A_406 = tpu.memref_slice %arg4[%mul3A_393, %mul3A_395, %dma_wait3A_405] : memref<20x16384x128xf32, #tpu.memory_space<hbm>> -> memref<1x256x128xf32, #tpu.memory_space<hbm>>
          %dma_wait3A_407 = arith.constant 0 : i32
          %dma_wait3A_408 = arith.constant 0 : i32
          %dma_wait3A_409 = arith.constant 0 : i32
          %dma_wait3A_410 = tpu.memref_slice %run_scoped3A_8[%rem3A_391, %dma_wait3A_407, %dma_wait3A_408, %dma_wait3A_409] : memref<2x1x256x128xf32, #tpu.memory_space<vmem>> -> memref<1x1x256x128xf32, #tpu.memory_space<vmem>>
          %dma_wait3A_411 = tpu.memref_squeeze %dma_wait3A_410 : memref<1x1x256x128xf32, #tpu.memory_space<vmem>> -> memref<1x256x128xf32, #tpu.memory_space<vmem>>
          tpu.wait_dma2 semaphore(%dma_wait3A_404 : memref<!tpu.dma_semaphore, #tpu.memory_space<semaphore_mem>>) src(%dma_wait3A_411 : memref<1x256x128xf32, #tpu.memory_space<vmem>>) dst(%dma_wait3A_406 : memref<1x256x128xf32, #tpu.memory_space<hbm>>)
          "tpu.trace_stop"() : () -> ()
        } else {
        }
        %and3A_361 = arith.constant true
        %and3A_362 = arith.andi %and3A_357, %and3A_361 : i1
        %add3A_363 = arith.constant 1 : i32
        %add3A_364 = arith.addi %scan3A_193, %add3A_363 : i32
        %select_n3A_365 = arith.select %and3A_362, %add3A_364, %scan3A_193 : i32
        %ne3A_366 = arith.cmpi ne, %add3A_201, %add3A_237 : i32
        %ne3A_367 = arith.cmpi ne, %add3A_202, %add3A_238 : i32
        %or3A_368 = arith.constant false
        %or3A_369 = arith.ori %or3A_368, %ne3A_366 : i1
        %or3A_370 = arith.ori %or3A_369, %ne3A_367 : i1
        %or3A_371 = arith.ori %or3A_370, %eq3A_199 : i1
        %add3A_372 = arith.constant 1 : i32
        %add3A_373 = arith.addi %scan3A_191, %add3A_372 : i32
        %select_n3A_374 = arith.select %or3A_371, %add3A_373, %scan3A_191 : i32
        %add3A_375 = arith.constant 1 : i32
        %add3A_376 = arith.addi %scan3A_195, %add3A_375 : i32
        %select_n3A_377 = arith.constant true
        %select_n3A_378 = arith.select %select_n3A_377, %add3A_376, %scan3A_195 : i32
        %eq3A_379 = arith.constant 2 : i32
        %eq3A_380 = arith.cmpi eq, %select_n3A_378, %eq3A_379 : i32
        %select_n3A_381 = arith.constant 0 : i32
        %select_n3A_382 = arith.select %eq3A_380, %select_n3A_381, %select_n3A_378 : i32
        %add3A_383 = arith.constant 1 : i32
        %add3A_384 = arith.addi %scan3A_194, %add3A_383 : i32
        %select_n3A_385 = arith.select %eq3A_380, %add3A_384, %scan3A_194 : i32
        %eq3A_386 = arith.constant 20 : i32
        %eq3A_387 = arith.cmpi eq, %select_n3A_385, %eq3A_386 : i32
        %select_n3A_388 = arith.constant 0 : i32
        %select_n3A_389 = arith.select %eq3A_387, %select_n3A_388, %select_n3A_385 : i32
        scf.yield %select_n3A_267, %select_n3A_374, %select_n3A_334, %select_n3A_365, %select_n3A_389, %select_n3A_382 : i32, i32, i32, i32, i32, i32
      }
      %scan3A_96 = arith.constant 40 : i32
      %sub3A = arith.constant 1 : i32
      %sub3A_97 = arith.subi %scan3A_95#5, %sub3A : i32
      %select_n3A_98 = arith.constant true
      %select_n3A_99 = arith.select %select_n3A_98, %sub3A_97, %scan3A_95#5 : i32
      %eq3A_100 = arith.constant -1 : i32
      %eq3A_101 = arith.cmpi eq, %select_n3A_99, %eq3A_100 : i32
      %select_n3A_102 = arith.constant 1 : i32
      %select_n3A_103 = arith.select %eq3A_101, %select_n3A_102, %select_n3A_99 : i32
      %sub3A_104 = arith.constant 1 : i32
      %sub3A_105 = arith.subi %scan3A_95#4, %sub3A_104 : i32
      %select_n3A_106 = arith.select %eq3A_101, %sub3A_105, %scan3A_95#4 : i32
      %eq3A_107 = arith.constant -1 : i32
      %eq3A_108 = arith.cmpi eq, %select_n3A_106, %eq3A_107 : i32
      %select_n3A_109 = arith.constant 19 : i32
      %select_n3A_110 = arith.select %eq3A_108, %select_n3A_109, %select_n3A_106 : i32
      %add3A_111 = arith.constant 0 : i32
      %add3A_112 = arith.addi %select_n3A_110, %add3A_111 : i32
      %add3A_113 = arith.addi %select_n3A_103, %mul3A_6 : i32
      %sub3A_114 = arith.constant 1 : i32
      %sub3A_115 = arith.subi %select_n3A_103, %sub3A_114 : i32
      %select_n3A_116 = arith.constant true
      %select_n3A_117 = arith.select %select_n3A_116, %sub3A_115, %select_n3A_103 : i32
      %eq3A_118 = arith.constant -1 : i32
      %eq3A_119 = arith.cmpi eq, %select_n3A_117, %eq3A_118 : i32
      %select_n3A_120 = arith.constant 1 : i32
      %select_n3A_121 = arith.select %eq3A_119, %select_n3A_120, %select_n3A_117 : i32
      %sub3A_122 = arith.constant 1 : i32
      %sub3A_123 = arith.subi %select_n3A_110, %sub3A_122 : i32
      %select_n3A_124 = arith.select %eq3A_119, %sub3A_123, %select_n3A_110 : i32
      %eq3A_125 = arith.constant -1 : i32
      %eq3A_126 = arith.cmpi eq, %select_n3A_124, %eq3A_125 : i32
      %select_n3A_127 = arith.constant 19 : i32
      %select_n3A_128 = arith.select %eq3A_126, %select_n3A_127, %select_n3A_124 : i32
      %add3A_129 = arith.constant 0 : i32
      %add3A_130 = arith.addi %select_n3A_128, %add3A_129 : i32
      %add3A_131 = arith.addi %select_n3A_121, %mul3A_6 : i32
      %add3A_132 = arith.constant 1 : i32
      %add3A_133 = arith.addi %select_n3A_103, %add3A_132 : i32
      %select_n3A_134 = arith.constant true
      %select_n3A_135 = arith.select %select_n3A_134, %add3A_133, %select_n3A_103 : i32
      %eq3A_136 = arith.constant 2 : i32
      %eq3A_137 = arith.cmpi eq, %select_n3A_135, %eq3A_136 : i32
      %select_n3A_138 = arith.constant 0 : i32
      %select_n3A_139 = arith.select %eq3A_137, %select_n3A_138, %select_n3A_135 : i32
      %add3A_140 = arith.constant 1 : i32
      %add3A_141 = arith.addi %select_n3A_110, %add3A_140 : i32
      %select_n3A_142 = arith.select %eq3A_137, %add3A_141, %select_n3A_110 : i32
      %eq3A_143 = arith.constant 20 : i32
      %eq3A_144 = arith.cmpi eq, %select_n3A_142, %eq3A_143 : i32
      %select_n3A_145 = arith.constant 0 : i32
      %select_n3A_146 = arith.select %eq3A_144, %select_n3A_145, %select_n3A_142 : i32
      %add3A_147 = arith.constant 0 : i32
      %add3A_148 = arith.addi %select_n3A_146, %add3A_147 : i32
      %add3A_149 = arith.addi %select_n3A_139, %mul3A_6 : i32
      %add3A_150 = arith.constant 1 : i32
      %add3A_151 = arith.addi %select_n3A_139, %add3A_150 : i32
      %select_n3A_152 = arith.constant true
      %select_n3A_153 = arith.select %select_n3A_152, %add3A_151, %select_n3A_139 : i32
      %eq3A_154 = arith.constant 2 : i32
      %eq3A_155 = arith.cmpi eq, %select_n3A_153, %eq3A_154 : i32
      %select_n3A_156 = arith.constant 0 : i32
      %select_n3A_157 = arith.select %eq3A_155, %select_n3A_156, %select_n3A_153 : i32
      %add3A_158 = arith.constant 1 : i32
      %add3A_159 = arith.addi %select_n3A_146, %add3A_158 : i32
      %select_n3A_160 = arith.select %eq3A_155, %add3A_159, %select_n3A_146 : i32
      %eq3A_161 = arith.constant 20 : i32
      %eq3A_162 = arith.cmpi eq, %select_n3A_160, %eq3A_161 : i32
      %select_n3A_163 = arith.constant 0 : i32
      %select_n3A_164 = arith.select %eq3A_162, %select_n3A_163, %select_n3A_160 : i32
      %add3A_165 = arith.constant 0 : i32
      %add3A_166 = arith.addi %select_n3A_164, %add3A_165 : i32
      %add3A_167 = arith.addi %select_n3A_157, %mul3A_6 : i32
      "tpu.trace_start"() <{level = 10 : i32, message = "ep_finalize"}> : () -> ()
      %rem3A_168 = arith.constant 2 : i32
      %rem3A_169 = arith.remui %scan3A_95#3, %rem3A_168 : i32
      %mul3A_170 = arith.constant 1 : i32
      %mul3A_171 = arith.muli %mul3A_170, %add3A_112 : i32
      %mul3A_172 = arith.constant 256 : i32
      %mul3A_173 = arith.muli %mul3A_172, %add3A_113 : i32
      %dma_wait3A = arith.constant 0 : i32
      %dma_wait3A_174 = arith.constant 0 : i32
      %dma_wait3A_175 = arith.constant 0 : i32
      %dma_wait3A_176 = tpu.memref_slice %run_scoped3A_8[%rem3A_169, %dma_wait3A, %dma_wait3A_174, %dma_wait3A_175] : memref<2x1x256x128xf32, #tpu.memory_space<vmem>> -> memref<1x1x256x128xf32, #tpu.memory_space<vmem>>
      %dma_wait3A_177 = tpu.memref_squeeze %dma_wait3A_176 : memref<1x1x256x128xf32, #tpu.memory_space<vmem>> -> memref<1x256x128xf32, #tpu.memory_space<vmem>>
      %dma_wait3A_178 = arith.constant 0 : i32
      %dma_wait3A_179 = tpu.memref_slice %arg4[%mul3A_171, %mul3A_173, %dma_wait3A_178] : memref<20x16384x128xf32, #tpu.memory_space<hbm>> -> memref<1x256x128xf32, #tpu.memory_space<hbm>>
      %dma_wait3A_180 = tpu.memref_slice %run_scoped3A_9[%rem3A_169] : memref<2x!tpu.dma_semaphore, #tpu.memory_space<semaphore_mem>> -> memref<1x!tpu.dma_semaphore, #tpu.memory_space<semaphore_mem>>
      %dma_wait3A_181 = tpu.memref_squeeze %dma_wait3A_180 : memref<1x!tpu.dma_semaphore, #tpu.memory_space<semaphore_mem>> -> memref<!tpu.dma_semaphore, #tpu.memory_space<semaphore_mem>>
      %dma_wait3A_182 = arith.constant 0 : i32
      %dma_wait3A_183 = tpu.memref_slice %arg4[%mul3A_171, %mul3A_173, %dma_wait3A_182] : memref<20x16384x128xf32, #tpu.memory_space<hbm>> -> memref<1x256x128xf32, #tpu.memory_space<hbm>>
      %dma_wait3A_184 = arith.constant 0 : i32
      %dma_wait3A_185 = arith.constant 0 : i32
      %dma_wait3A_186 = arith.constant 0 : i32
      %dma_wait3A_187 = tpu.memref_slice %run_scoped3A_8[%rem3A_169, %dma_wait3A_184, %dma_wait3A_185, %dma_wait3A_186] : memref<2x1x256x128xf32, #tpu.memory_space<vmem>> -> memref<1x1x256x128xf32, #tpu.memory_space<vmem>>
      %dma_wait3A_188 = tpu.memref_squeeze %dma_wait3A_187 : memref<1x1x256x128xf32, #tpu.memory_space<vmem>> -> memref<1x256x128xf32, #tpu.memory_space<vmem>>
      tpu.wait_dma2 semaphore(%dma_wait3A_181 : memref<!tpu.dma_semaphore, #tpu.memory_space<semaphore_mem>>) src(%dma_wait3A_188 : memref<1x256x128xf32, #tpu.memory_space<vmem>>) dst(%dma_wait3A_183 : memref<1x256x128xf32, #tpu.memory_space<hbm>>)
      "tpu.trace_stop"() : () -> ()
      tpu.yield
    }) : () -> ()
    return
  }
}

module attributes {stable_mosaic.version = 14 : i64} {
  func.func @body(%arg0: i32, %arg1: i32, %arg2: memref<1x8192x128xf32, #tpu.memory_space<vmem>>, %arg3: memref<1x64x8192xf32, #tpu.memory_space<vmem>>) attributes {dimension_semantics = [#tpu.dimension_semantics<arbitrary>, #tpu.dimension_semantics<arbitrary>], iteration_bounds = array<i64: 20, 2>, scalar_prefetch = 0 : i64, scratch_operands = 0 : i64, tpu.core_type = #tpu.core_type<tc>, window_params = [{transform_indices = @transform_0, window_bounds = array<i64: 1, 8192, 128>}, {transform_indices = @transform_1, window_bounds = array<i64: 1, 64, 8192>}]} {
    %get3A = arith.constant 0 : index
    %get3A_0 = arith.constant 0 : index
    %get3A_1 = arith.constant 0 : index
    %get3A_2 = vector.load %arg2[%get3A, %get3A_0, %get3A_1] : memref<1x8192x128xf32, #tpu.memory_space<vmem>>, vector<1x8192x128xf32>
    %get3A_3 = vector.shape_cast %get3A_2 : vector<1x8192x128xf32> to vector<8192x128xf32>
    %slice3A = vector.extract_strided_slice %get3A_3 {offsets = [0, 0], sizes = [8192, 64], strides = [1, 1]} : vector<8192x128xf32> to vector<8192x64xf32>
    %transpose3A = tpu.transpose %slice3A, [1, 0] : vector<8192x64xf32> -> vector<64x8192xf32>
    %swap3A = arith.constant 0 : index
    %swap3A_4 = arith.constant 0 : index
    %swap3A_5 = arith.constant 0 : index
    %swap3A_6 = vector.load %arg3[%swap3A, %swap3A_4, %swap3A_5] : memref<1x64x8192xf32, #tpu.memory_space<vmem>>, vector<1x64x8192xf32>
    %swap3A_7 = vector.shape_cast %swap3A_6 : vector<1x64x8192xf32> to vector<64x8192xf32>
    %swap3A_8 = vector.shape_cast %transpose3A : vector<64x8192xf32> to vector<1x64x8192xf32>
    tpu.vector_store %arg3[%swap3A, %swap3A_4, %swap3A_5], %swap3A_8 {strides = array<i32>} : memref<1x64x8192xf32, #tpu.memory_space<vmem>>, vector<1x64x8192xf32>,
    return
  }
  func.func @transform_0(%arg0: i32, %arg1: i32) -> (i32, i32, i32) {
    %c0_i32 = arith.constant 0 : i32
    %c0_i32_0 = arith.constant 0 : i32
    return %arg0, %arg1, %c0_i32 : i32, i32, i32
  }
  func.func @transform_1(%arg0: i32, %arg1: i32) -> (i32, i32, i32) {
    %c0_i32 = arith.constant 0 : i32
    %c0_i32_0 = arith.constant 0 : i32
    return %arg0, %c0_i32, %arg1 : i32, i32, i32
  }
}

module attributes {stable_mosaic.version = 14 : i64} {
  func.func @body(%arg0: i32, %arg1: memref<64x20480xf32, #tpu.memory_space<vmem>>, %arg2: memref<20480x128xf32, #tpu.memory_space<vmem>>) attributes {dimension_semantics = [#tpu.dimension_semantics<arbitrary>], iteration_bounds = array<i64: 49>, scalar_prefetch = 0 : i64, scratch_operands = 0 : i64, tpu.core_type = #tpu.core_type<tc>, window_params = [{transform_indices = @transform_0, window_bounds = array<i64: 64, 20480>}, {transform_indices = @transform_1, window_bounds = array<i64: 20480, 128>}]} {
    %get3A = arith.constant 0 : index
    %get3A_0 = arith.constant 0 : index
    %get3A_1 = vector.load %arg1[%get3A, %get3A_0] : memref<64x20480xf32, #tpu.memory_space<vmem>>, vector<64x20480xf32>
    %transpose3A = tpu.transpose %get3A_1, [1, 0] : vector<64x20480xf32> -> vector<20480x64xf32>
    %swap3A = arith.constant 0 : index
    %swap3A_2 = arith.constant 0 : index
    %swap3A_3 = vector.load %arg2[%swap3A, %swap3A_2] : memref<20480x128xf32, #tpu.memory_space<vmem>>, vector<20480x64xf32>
    tpu.vector_store %arg2[%swap3A, %swap3A_2], %transpose3A {strides = array<i32>} : memref<20480x128xf32, #tpu.memory_space<vmem>>, vector<20480x64xf32>,
    return
  }
  func.func @transform_0(%arg0: i32) -> (i32, i32) {
    %c0_i32 = arith.constant 0 : i32
    %c0_i32_0 = arith.constant 0 : i32
    return %c0_i32, %arg0 : i32, i32
  }
  func.func @transform_1(%arg0: i32) -> (i32, i32) {
    %c0_i32 = arith.constant 0 : i32
    %c0_i32_0 = arith.constant 0 : i32
    return %arg0, %c0_i32 : i32, i32
  }
}

</mosaic_0001>

<sc_bundles>
// kernel: kernel.5.cloned.1.call-start
scs
__scs_entry_jumppad:
0x0: {  	(pc) =	sbr.rel $0x88, $3  }
0x1: {  	(tag) =	ssettag $0x0;
	lr =	simm.s32 $0x1  }
0x2: {  	[smem:$0x3F9F] =	sst lr;
	_ =	strace $0xD0000000  }
0x3: {  	_ = 	snop  }
0x4: {  	_ = 	snop  }
0x5: {  	_ = 	snop  }
0x6: {  	_ = 	snop  }
0x7: {  	_ = 	snop  }
__scs_overlays_trampoline_lowered:
0x8: {  	[smem:$0x3FAE] =	sst s0  }
0x9: {  	[smem:$0x3FAF] =	sst s1  }
0xa: {  	[smem:$0x3FB0] =	sst s2  }
0xb: {  	[smem:$0x3FB1] =	sst s3  }
0xc: {  	[smem:$0x3FB2] =	sst s4  }
0xd: {  	[smem:$0x3FB3] =	sst s5  }
0xe: {  	[smem:$0x3FB4] =	sst s6  }
0xf: {  	[smem:$0x3FB5] =	sst s7  }
0x10: {  	[smem:$0x3FB6] =	sst s8  }
0x11: {  	[smem:$0x3FB7] =	sst s9;
	s0 =	simm.s32 @!p0 $0x0  }
0x12: {  	s1 =	sld [smem:$0x3F9D];
	s0 =	simm.s32 @p0 $0x1  }
0x13: {  	[smem:$0x3FB8] =	sst s0;
	s0 =	simm.s32 @!p1 $0x0  }
0x14: {  	s2 =	sld [smem:$0x3F9C];
	s0 =	simm.s32 @p1 $0x1  }
0x15: {  	[smem:$0x3FB9] =	sst s0;
	s0 =	simm.s32 @!p2 $0x0  }
0x16: {  	s3 =	sld [smem:$0x3FDB];
	s0 =	simm.s32 @p2 $0x1  }
0x17: {  	s4 =	simm.s32 $0x1BF5;
	[smem:$0x3FBB] =	sst s0  }
0x18: {  	s0 =	sld [smem:$0x3F9E];
	_ =	swait.ge [sflag:s4], $0x0  }
0x19: {  	s7 =	sld [smem:$0x3F9F]  }
0x1a: {  	s8 =	sadd.s32 $0xFFFFE003, lr  }
0x1b: {  	s9 =	sadd.s32 $0xFFFFFEF7, lr;
	s5 =	simm.s32 $0xFFFFFFFF;
	p2 =	slt.u32 s8, $0xFFFFF086  }
0x1c: {  	p1 =	slt.u32 s9, $0xF7A;
	s5 =	simm.s32 @!p2 $0x0  }
0x1d: {  	s5 =	simm.s32 @p1 $0x1;
	p0 =	seq.s32 s7, s2  }
0x1e: {  	s7 =	smul.u32 @!p0 $0xF7A, s2;
	p2 =	seq.s32 @!p0 s5, $0x0  }
0x1f: {  	s9 =	smul.u32 $0xF7A, s1;
	s8 =	simm.s32 @!p0 $0x1BF5;
	p2 =	por !p2, p0  }
0x20: {  	[sflag:s8] =	ssyncset.s32 @!p0 $0xFFFFF086;
	s6 =	sadd.s32 @!p0 s3, s7;
	s7 =	simm.s32 @!p0 $0x108  }
0x21: {  	s3 =	sadd.s32 s3, s9;
	s6 =	sadd.s32 @!p0 $0x88, s6;
	s7 =	simm.s32 @p2 $0x1082  }
0x22: {  	[simem:s7], [sflag:s8] =	dma.local @!p0 [hbm:s6], $0xF7A  }
0x23: {  	s9 =	sor.u32 $0xD0000000, s2;
	s6 =	simm.s32 $0x108;
	_ =	swait.ge @!p0 [sflag:s8], $0x0  }
0x24: {  	s3 =	sadd.s32 $0x88, s3;
	s6 =	simm.s32 @!p1 $0x1082;
	[sflag:s4] =	ssyncset.s32 $0xFFFFF086  }
0x25: {  	[simem:s6], [sflag:s4] =	dma.local [hbm:s3], $0xF7A  }
0x26: {  	[smem:$0x3F9F] =	sst s1;
	(tag) =	ssettag s2;
	_ =	strace s9  }
0x27: {  	s1 =	sld [smem:$0x3FAF]  }
0x28: {  	s2 =	sld [smem:$0x3FB0]  }
0x29: {  	s4 =	sld [smem:$0x3FB2]  }
0x2a: {  	p0 =	seq.s32 s5, $0x0;
	s5 =	sld [smem:$0x3FB3]  }
0x2b: {  	s6 =	sld [smem:$0x3FB4]  }
0x2c: {  	s7 =	sld [smem:$0x3FB5]  }
0x2d: {  	s3 =	simm.s32 $0x108;
	s8 =	sld [smem:$0x3FB6]  }
0x2e: {  	s3 =	simm.s32 @!p0 $0x1082;
	s9 =	sld [smem:$0x3FB7]  }
0x2f: {  	lr =	sadd.s32 s0, s3;
	s0 =	sld [smem:$0x3FAE]  }
0x30: {  	s3 =	sld [smem:$0x3FB1]  }
0x31: {  	[smem:$0x3FBA] =	sst s10  }
0x32: {  	s10 =	sld [smem:$0x3FB8];
	_ =	sdelay $0x3  }
0x33: {  	p0 =	seq.s32 s10, $0x1;
	s10 =	sld [smem:$0x3FBA];
	_ =	sdelay $0x3  }
0x34: {  	[smem:$0x3FBA] =	sst s10  }
0x35: {  	s10 =	sld [smem:$0x3FB9];
	_ =	sdelay $0x3  }
0x36: {  	p1 =	seq.s32 s10, $0x1;
	s10 =	sld [smem:$0x3FBA];
	_ =	sdelay $0x3  }
0x37: {  	[smem:$0x3FBA] =	sst s10  }
0x38: {  	s10 =	sld [smem:$0x3FBB]  }
0x39: {  	_ = 	snop;
	(pc) =	sbr.ind lr, $3  }
0x3a: {  	_ = 	snop  }
0x3b: {  	_ = 	snop  }
0x3c: {  	p2 =	seq.s32 s10, $0x1;
	s10 =	sld [smem:$0x3FBA]  }
0x3d: {  	_ =	shalt  }
0x3e: {  	_ =	shalt  }
0x3f: {  	_ =	shalt  }
0x40: {  	_ =	shalt  }
0x41: {  	_ =	shalt  }
0x42: {  	_ =	shalt  }
0x43: {  	_ =	shalt  }
0x44: {  	_ =	shalt  }
0x45: {  	_ =	shalt  }
0x46: {  	_ =	shalt  }
0x47: {  	_ =	shalt  }
0x48: {  	_ =	shalt  }
0x49: {  	_ =	shalt  }
0x4a: {  	_ =	shalt  }
0x4b: {  	_ =	shalt  }
0x4c: {  	_ =	shalt  }
0x4d: {  	_ =	shalt  }
0x4e: {  	_ =	shalt  }
0x4f: {  	_ =	shalt  }
0x50: {  	_ =	shalt  }
0x51: {  	_ =	shalt  }
0x52: {  	_ =	shalt  }
0x53: {  	_ =	shalt  }
0x54: {  	_ =	shalt  }
0x55: {  	_ =	shalt  }
0x56: {  	_ =	shalt  }
0x57: {  	_ =	shalt  }
0x58: {  	_ =	shalt  }
0x59: {  	_ =	shalt  }
0x5a: {  	_ =	shalt  }
0x5b: {  	_ =	shalt  }
0x5c: {  	_ =	shalt  }
0x5d: {  	_ =	shalt  }
0x5e: {  	_ =	shalt  }
0x5f: {  	_ =	shalt  }
0x60: {  	_ =	shalt  }
0x61: {  	_ =	shalt  }
0x62: {  	_ =	shalt  }
0x63: {  	_ =	shalt  }
0x64: {  	_ =	shalt  }
0x65: {  	_ =	shalt  }
0x66: {  	_ =	shalt  }
0x67: {  	_ =	shalt  }
0x68: {  	_ =	shalt  }
0x69: {  	_ =	shalt  }
0x6a: {  	_ =	shalt  }
0x6b: {  	_ =	shalt  }
0x6c: {  	_ =	shalt  }
0x6d: {  	_ =	shalt  }
0x6e: {  	_ =	shalt  }
0x6f: {  	_ =	shalt  }
0x70: {  	_ =	shalt  }
0x71: {  	_ =	shalt  }
0x72: {  	_ =	shalt  }
0x73: {  	_ =	shalt  }
0x74: {  	_ =	shalt  }
0x75: {  	_ =	shalt  }
0x76: {  	_ =	shalt  }
0x77: {  	_ =	shalt  }
0x78: {  	_ =	shalt  }
0x79: {  	_ =	shalt  }
0x7a: {  	_ =	shalt  }
0x7b: {  	_ =	shalt  }
0x7c: {  	_ =	shalt  }
0x7d: {  	_ =	shalt  }
0x7e: {  	_ =	shalt  }
0x7f: {  	_ =	shalt  }
0x80: {  	_ =	shalt  }
0x81: {  	_ =	shalt  }
0x82: {  	_ =	shalt  }
0x83: {  	_ =	shalt  }
0x84: {  	_ =	shalt  }
0x85: {  	_ =	shalt  }
0x86: {  	_ =	shalt  }
0x87: {  	_ =	shalt  }
.Lfunc_end0:
.L_simem_size_0:
called_computation_lowered:
.L_overlay_start_0:
0x88: {  	s2 =	sld [smem:$0x3FD9]  }
0x89: {  	s3 =	sld [smem:$0x3FFE];
	_ =	sdelay $0x1  }
0x8a: {  	s1 =	srdreg.scid  }
0x8b: {  	s0 =	sand.u32 $0x1, s1  }
0x8c: {  	s17 =	sshll.u32 s0, $0xA;
	s2 =	sadd.s32 s3, s2  }
0x8d: {  	s2 =	sadd.s32 s2, s17  }
0x8e: {  	[smem:$0x3FC6] =	sst s2  }
0x8f: {  	_ = 	snop  }
0x90: {  	s2 =	sld [smem:$0x3FC9];
	(tm) =	ssettm $0x1  }
0x91: {  	s18 =	sld [smem:$0x3FFB];
	_ =	sdelay $0x3  }
0x92: {  	_ =	strace s18  }
0x93: {  	s3 =	sld [smem:$0x3FFC];
	_ =	sdelay $0x3  }
0x94: {  	_ =	strace s3  }
0x95: {  	s3 =	sld [smem:$0x3FFD];
	_ =	sdelay $0x3  }
0x96: {  	_ =	strace s3  }
0x97: {  	_ =	strace $0x8FFFFFFF  }
0x98: {  	s19 =	sld [smem:$0x3FDB];
	_ =	sdelay $0x1  }
0x99: {  	s4 =	simm.s32 $_scs_section_size  }
0x9a: {  	s5 =	simm.s32 $_size__tile_overlayer_lowered;
	s6 =	simm.s32 $_tile_overlayer_lowered  }
0x9b: {  	s22 =	simm.s32 $0x1BFF;
	s21 =	sshll.u32 s6, $0x1;
	s3 =	sadd.s32 s4, s19  }
0x9c: {  	s7 =	simm.s32 $0x0;
	s20 =	sshll.u32 s5, $0x1;
	s5 =	sadd.s32 s21, s3  }
0x9d: {  	[timem:s7], [sflag:s22] =	dma.local [hbm:s5], s20  }
0x9e: {  	_ =	swait.ge [sflag:s22], s20  }
0x9f: {  	s4 =	ssub.s32 $0x0, s20;
	[sflag:s22] =	ssyncset.done $0x0  }
0xa0: {  	[sflag:s22] =	ssyncadd.s32 s4;
	_ =	sdelay $0x1  }
0xa1: {  	s23 =	simm.s32 $0x1B8B  }
0xa2: {  	_ =	swait.ge [sflag:s23], $0x1  }
0xa3: {  	[sflag:s23] =	ssyncset.done $0x0  }
0xa4: {  	s25 =	simm.s32 $0x1B8E;
	s24 =	sld [smem:$0x3FFE];
	[sflag:s23] =	ssyncadd.s32 $0xFFFFFFFF  }
0xa5: {  	s26 =	simm.s32 $execute0_lowered;
	[smem:$0x3FD2] =	sst s25  }
0xa6: {  	s5 =	sshll.u32 s26, $0x1;
	_ =	strace $0x80000046;
	[dreg:$0x1] =	wrdreg $0xFFFFFFFF  }
0xa7: {  	s28 =	simm.s32 $_size_execute0_lowered;
	s3 =	sadd.s32 s3, s5;
	[dreg:$0x0] =	wrdreg $0x0  }
0xa8: {  	s5 =	sshll.u32 s28, $0x1;
	[dreg:$0x2] =	wrdreg s3  }
0xa9: {  	[dreg:$0x3] =	wrdreg s5  }
0xaa: {  	[dreg:$0x4] =	wrdreg $0xC0  }
0xab: {  	_ =	task [dreg:s7], $0x5FFFF  }
0xac: {  	[dreg:$0x1] =	wrdreg $0xFFFFFFFF  }
0xad: {  	[dreg:$0x0] =	wrdreg $0x60  }
0xae: {  	[dreg:$0x2] =	wrdreg s24  }
0xaf: {  	[dreg:$0x3] =	wrdreg s2  }
0xb0: {  	[dreg:$0x4] =	wrdreg $0x9  }
0xb1: {  	_ =	task.clear_ibuf [dreg:s7], $0x5FFFF;
	_ =	strace $0x90000046  }
0xb2: {  	s29 =	simm.s32 $0x9;
	_ =	strace $0x8000004F  }
0xb3: {  	_ =	swait.ge [sflag:s29], $0x1  }
0xb4: {  	[sflag:s29] =	ssyncadd.s32 $0xFFFFFFFF  }
0xb5: {  	_ =	strace $0x9000004F  }
0xb6: {  	_ =	sfence  }
0xb7: {  	s30 =	sld [smem:$0x0];
	_ =	sdelay $0x2  }
0xb8: {  	s31 =	sshll.u32 s1, $0xD;
	s1 =	sshrl.u32 s1, $0x2  }
0xb9: {  	s3 =	sand.u32 $0x4000, s31;
	s1 =	sadd.s32 s1, s30  }
0xba: {  	s0 =	sor.u32 s3, s0;
	s1 =	sshll.u32 s1, $0x11  }
0xbb: {  	s0 =	sor.u32 s1, s0  }
0xbc: {  	s0 =	sadd.s32 $0x8F2B, s0  }
0xbd: {  	[sflag:s0] =	ssyncadd.remote.s32 $0x1  }
0xbe: {  	_ =	sfence.sel $0xFFFF  }
0xbf: {  	[dreg:$0x0] =	wrdreg $0xFFFFFFFF;
	(pc) =	sbr.abs _section_cstart, $3  }
0xc0: {  	[dreg:$0x1] =	wrdreg $0xFFFFFFFF  }
0xc1: {  	_ =	task.clear_ibuf [dreg:s7], $0x2FFFF;
	_ =	strace $0x9FFFFFFF  }
0xc2: {  	(tm) =	ssettm $0x7FFFFFFF  }
0xc3: {  	_ =	shalt  }
tec
execute0_lowered:
.L_overlay_start_1:
0x0: {  	(tag) =	ssettag $0x1  }
0x1: {  	s0 =	rddreg [dreg:$0x0]  }
0x2: {  	s1 =	rddreg [dreg:$0x1];
	s2 =	simm.s32 $0x0;
	s3 =	srdreg.scid  }
0x3: {  	s28 =	stileid.u32;
	s8 =	simm.s32 $0x80;
	s3 =	sand.u32 $0x1, s3  }
0x4: {  	[smem:$0x7FF] =	sst s2;
	s5 =	ssub.s32 $0x2, s3;
	s3 =	sshll.u32 s3, $0x4  }
0x5: {  	s4 =	sadd.s32 $0x400, s0;
	s0 =	sadd.s32 $0xF42800, s0;
	s3 =	sor.u32 s28, s3  }
0x6: {  	_ =	strace $0x80000047;
	s6 =	sshrl.u32 s5, $0x1;
	s30 =	sshll.u32 s3, $0x9  }
0x7: {  	[dreg:$0x3] =	wrdreg s0;
	s29 =	ssub.s32 s5, s6;
	s31 =	sadd.s32 s1, s30  }
0x8: {  	s11 =	simm.s32 $0x5;
	s0 =	smax.u32 s29, $0x1;
	[dreg:$0x4] =	wrdreg s31  }
0x9: {  	s13 =	simm.s32 $0x0;
	s5 =	sshll.u32 s3, $0x1;
	[dreg:$0x5] =	wrdreg s0  }
.LBB2_1:
0xa: {  	_ =	strace $0x80000048;
	s2 =	simm.s32 $0x0;
	s3 =	simm.s32 $0x400  }
0xb: {  	p0 =	por $0x0, $0x0;
	s14 =	simm.s32 $0x1;
	s16 =	simm.s32 $0x27  }
0xc: {  	p4 =	por $0x1, $0x1;
	p5 =	por $0x1, $0x1;
	s0 =	rddreg [dreg:$0x4]  }
0xd: {  	[tilespmem:s2], [sflag:$0x1] =	stream.strided.gather [hbm4b:s0+s8], $0x100, s3, s8, $0x200038;
	[tilespmem:$0x10200] =	vst v63  }
0xe: {  	s10 =	simm.s32 $0x0;
	s19 =	simm.s32 $0x26;
	s0 =	simm.s32 $0x1  }
0xf: {  	p6 =	por $0x0, $0x0;
	s29 =	sadd.s32 $0x0, s5;
	s0 =	simm.s32 @!p0 $0x0  }
0x10: {  	s24 =	simm.s32 $0x1;
	s14 =	simm.s32 @p0 $0x0;
	s15 =	sadd.s32 $0x0, s0  }
0x11: {  	s26 =	sand.u32 $0x1, s2;
	s12 =	sand.u32 $0x100, s10;
	p1 =	seq.s32 s15, $0x14  }
0x12: {  	p2 =	sne.s32 s14, $0x0;
	s22 =	sadd.s32 $0x1, s26;
	s15 =	simm.s32 @p1 $0x0  }
0x13: {  	s31 =	sor.u32 $0x80, s12;
	_ =	strace $0x90000048;
	p1 =	sne.s32 s15, $0x0  }
0x14: {  	s0 =	simm.s32 $0x1;
	p2 =	por p2, p1;
	p1 =	por p4, p4  }
0x15: {  	p4 =	por $0x0, $0x0;
	p0 =	por !p5, !p2;
	s20 =	sand.u32 @!p1 $0x1, s2  }
0x16: {  	s2 =	simm.s32 $0x1;
	p5 =	por $0x0, $0x0;
	p3 =	por !p0, !p0  }
0x17: {  	p2 =	por p6, p2;
	s24 =	simm.s32 @!p5 $0x0;
	s3 =	sshll.u32 @p3 s15, $0xE  }
0x18: {  	s17 =	sadd.s32 @p3 s5, s14;
	s18 =	sshll.u32 @p3 s15, $0x7;
	s23 =	simm.s32 @p3 $0x80  }
0x19: {  	_ =	strace @p3 $0x80000049;
	s3 =	sand.u32 @p3 $0xFFFE0000, s3;
	s17 =	sshll.u32 @p3 s17, $0xB  }
0x1a: {  	s25 =	simm.s32 @p3 $0x400;
	s18 =	sand.u32 @p3 $0x380, s18;
	s3 =	sadd.s32 @p3 s17, s3  }
0x1b: {  	s17 =	sand.u32 @p3 $0x1, s2;
	s3 =	sor.u32 @p3 s18, s3;
	s18 =	simm.s32 $0x1  }
0x1c: {  	s21 =	sshll.u32 @p3 s17, $0x8;
	s3 =	sshrl.u32 @p3 s3, $0x3;
	s18 =	simm.s32 @!p3 $0x0  }
0x1d: {  	s17 =	sadd.s32 @p3 $0x1, s17;
	s3 =	sadd.s32 @p3 s1, s3;
	s18 =	sadd.s32 $0x1, s18  }
0x1e: {  	[tilespmem:s21], [sflag:s17] =	stream.strided.gather @p3 [hbm4b:s3+s23], $0x100, s25, s23, $0x200038;
	[tilespmem:$0x10200] =	vst v63  }
0x1f: {  	s21 =	sadd.s32 $0x1, s14;
	s23 =	sshll.u32 s26, $0xF;
	_ =	strace @p3 $0x90000049  }
0x20: {  	s3 =	sshll.u32 @p2 s29, $0xF;
	s29 =	simm.s32 $0x1;
	_ =	strace $0x8000004A  }
0x21: {  	s17 =	simm.s32 $0x0;
	p3 =	seq.s32 s21, $0x2;
	_ =	swait.ge [sflag:s22], $0x100  }
0x22: {  	s28 =	sor.u32 $0x200, s23;
	s30 =	sor.u32 $0x4200, s23;
	[sflag:s22] =	ssyncset.done $0x0  }
0x23: {  	s29 =	simm.s32 @!p2 $0x0;
	s0 =	simm.s32 @!p3 $0x0;
	[sflag:s22] =	ssyncadd.s32 $0xFFFFFF00  }
0x24: {  	s23 =	simm.s32 $0x0;
	s25 =	sadd.s32 s0, s15;
	_ =	strace $0x9000004A  }
0x25: {  	s21 =	simm.s32 @p3 $0x0;
	p3 =	seq.s32 s25, $0x14;
	_ =	strace $0x8000004B  }
0x26: {  	[tilespmem:s28], [sflag:$0x5] =	stream.indirect.gather [hbm4b:s4+s8], $0x80, s12, s8, $0x2000b8;
	[tilespmem:$0x10200] =	vst v63  }
0x27: {  	p6 =	sne.s32 s14, s21;
	s25 =	simm.s32 @p3 $0x0;
	_ =	swait.ge [sflag:s11], $0x4000  }
0x28: {  	s0 =	simm.s32 @p2 $0x0;
	p3 =	sne.s32 s15, s25;
	[sflag:s11] =	ssyncset.done $0x0  }
0x29: {  	s22 =	sadd.s32 $0x0, s29;
	p3 =	por p6, p3;
	[sflag:s11] =	ssyncadd.s32 $0xFFFFC000  }
.LBB2_2:
0x2a: {  	[tilespmem:s30], [sflag:$0x5] =	stream.indirect.gather [hbm4b:s4+s8], $0x80, s31, s8, $0x2000b8;
	[tilespmem:$0x10200] =	vst v63  }
0x2b: {  	s31 =	smov.u32 s16  }
0x2c: {  	s16 =	smov.u32 s19;
	s9 =	smov.u32 s20;
	p5 =	por p1, p1  }
0x2d: {  	p1 =	por p4, p4;
	s10 =	sand.u32 $0x1, s22;
	s0 =	sadd.s32 @p2 s0, s3  }
0x2e: {  	s23 =	sadd.s32 s29, s23;
	s30 =	sshll.u32 s22, $0x8;
	s19 =	sadd.s32 $0xFFFFFFFF, s19  }
0x2f: {  	s17 =	sadd.s32 s24, s17;
	s3 =	smov.u32 s14;
	p0 =	sne.s32 s19, $0x0  }
0x30: {  	s14 =	smov.u32 s21;
	_ =	swait.ge [sflag:s11], $0x4000;
	s2 =	simm.s32 @!p0 $0x0  }
0x31: {  	s29 =	smov.u32 s15;
	[sflag:s11] =	ssyncset.done $0x0;
	s2 =	simm.s32 @p0 $0x1  }
0x32: {  	s6 =	simm.s32 @p2 $0x0;
	[sflag:s11] =	ssyncadd.s32 $0xFFFFC000;
	[smem:$0x7FD] =	sst s2  }
0x33: {  	s26 =	sadd.s32 @p2 $0x3, s26;
	p4 =	sne.s32 s31, $0x1;
	_ =	strace $0x9000004B  }
0x34: {  	s15 =	smov.u32 s25;
	p0 =	por !p4, !p3;
	_ =	strace @p2 $0x8000004C  }
0x35: {  	s0 =	sshrl.u32 @p2 s0, $0x3;
	p6 =	por !p0, !p0;
	s24 =	rddreg [dreg:$0x3]  }
0x36: {  	s9 =	sadd.s32 @!p5 $0x3, s9;
	s7 =	sshll.u32 @p6 s25, $0x7;
	s0 =	sadd.s32 @p2 s24, s0  }
0x37: {  	[hbm4b:s0+s6] =	stream.linear.scatter @p2 [tilespmem:s28], [sflag:s26], $0x8000, $0x200038;
	[tilespmem:$0x10200] =	vst v63  }
0x38: {  	s2 =	sshll.u32 @p6 s25, $0xE;
	s12 =	sadd.s32 @p6 s5, s21;
	_ =	strace @p2 $0x9000004C  }
0x39: {  	s2 =	sand.u32 @p6 $0xFFFE0000, s2;
	s12 =	sshll.u32 @p6 s12, $0xB;
	_ =	strace @!p5 $0x8000004D  }
0x3a: {  	s7 =	sand.u32 @p6 $0x380, s7;
	s2 =	sadd.s32 @p6 s12, s2;
	_ =	swait.ge @!p5 [sflag:s9], $0x8000  }
0x3b: {  	s12 =	sand.u32 @p6 $0x1, s18;
	s0 =	sor.u32 @p6 s7, s2;
	[sflag:s9] =	ssyncset.done @!p5 $0x0  }
0x3c: {  	s2 =	sshll.u32 @p6 s12, $0x8;
	s6 =	simm.s32 @p6 $0x80;
	[sflag:s9] =	ssyncadd.s32 @!p5 $0xFFFF8000  }
0x3d: {  	s7 =	sadd.s32 @p6 $0x1, s12;
	s0 =	sshrl.u32 @p6 s0, $0x3;
	_ =	strace @!p5 $0x9000004D  }
0x3e: {  	s0 =	sadd.s32 @p6 s1, s0;
	s9 =	simm.s32 @p6 $0x400;
	_ =	strace @p6 $0x80000049  }
0x3f: {  	[tilespmem:s2], [sflag:s7] =	stream.strided.gather @p6 [hbm4b:s0+s6], $0x100, s9, s6, $0x200038;
	[tilespmem:$0x10200] =	vst v63  }
0x40: {  	s10 =	sadd.s32 $0x1, s10;
	p0 =	sne.s32 s31, $0x28;
	_ =	strace @p6 $0x90000049  }
0x41: {  	s21 =	sadd.s32 $0x1, s21;
	s24 =	simm.s32 $0x1;
	_ =	strace $0x8000004A  }
0x42: {  	s12 =	simm.s32 $0x1;
	s24 =	simm.s32 @!p0 $0x0;
	_ =	swait.ge [sflag:s10], $0x100  }
0x43: {  	p0 =	seq.s32 s21, $0x2;
	s26 =	sand.u32 $0x1, s23;
	[sflag:s10] =	ssyncset.done $0x0  }
0x44: {  	s12 =	simm.s32 @!p6 $0x0;
	s7 =	sand.u32 $0x100, s30;
	[sflag:s10] =	ssyncadd.s32 $0xFFFFFF00  }
0x45: {  	s0 =	simm.s32 $0x1;
	s9 =	sshll.u32 s26, $0xF;
	_ =	strace $0x9000004A  }
0x46: {  	s0 =	simm.s32 @!p0 $0x0;
	s28 =	sor.u32 $0x200, s9;
	_ =	strace $0x8000004B  }
0x47: {  	[tilespmem:s28], [sflag:$0x5] =	stream.indirect.gather [hbm4b:s4+s8], $0x80, s7, s8, $0x2000b8;
	[tilespmem:$0x10200] =	vst v63  }
0x48: {  	s21 =	simm.s32 @p0 $0x0;
	s25 =	sadd.s32 s0, s25;
	_ =	swait.ge [sflag:s11], $0x4000  }
0x49: {  	s18 =	sadd.s32 s12, s18;
	p0 =	seq.s32 s25, $0x14;
	s12 =	sld [smem:$0x7FD]  }
0x4a: {  	s25 =	simm.s32 @p0 $0x0  }
0x4b: {  	p2 =	seq.s32 s31, $0x1;
	p6 =	sne.s32 s14, s21;
	p0 =	sne.s32 s15, s25  }
0x4c: {  	p2 =	por p2, p3;
	p3 =	por p6, p0;
	p0 =	seq.s32 s12, $0x1  }
.Ltmp0:
0x4d: {  	_ = 	snop;
	(pc) =	sbr.rel @p0 .LBB2_2-.Ltmp0, $4  }
0x4e: {  	s20 =	sand.u32 @!p1 $0x1, s17;
	s3 =	sadd.s32 s5, s3;
	p4 =	seq.s32 s16, $0x28  }
0x4f: {  	s3 =	sshll.u32 @p2 s3, $0xF;
	s0 =	sshll.u32 @p2 s29, $0x15;
	s29 =	simm.s32 $0x1  }
0x50: {  	s30 =	sor.u32 $0x4200, s9;
	s29 =	simm.s32 @!p2 $0x0;
	[sflag:s11] =	ssyncset.done $0x0  }
0x51: {  	s31 =	sor.u32 $0x80, s7;
	s22 =	sadd.s32 s29, s22;
	[sflag:s11] =	ssyncadd.s32 $0xFFFFC000  }
0x52: {  	[tilespmem:s30], [sflag:$0x5] =	stream.indirect.gather [hbm4b:s4+s8], $0x80, s31, s8, $0x2000b8;
	[tilespmem:$0x10200] =	vst v63  }
0x53: {  	_ =	swait.ge [sflag:s11], $0x4000  }
0x54: {  	[sflag:s11] =	ssyncset.done $0x0  }
0x55: {  	s0 =	sadd.s32 @p2 s0, s3;
	p5 =	sne.s32 s16, $0x1;
	[sflag:s11] =	ssyncadd.s32 $0xFFFFC000  }
0x56: {  	p0 =	por p1, p1;
	s3 =	simm.s32 @p2 $0x0;
	_ =	strace $0x9000004B  }
0x57: {  	s6 =	sadd.s32 @p2 $0x3, s26;
	p5 =	por !p5, !p3;
	_ =	strace @p2 $0x8000004C  }
0x58: {  	s0 =	sshrl.u32 @p2 s0, $0x3;
	p1 =	por !p5, !p5;
	s2 =	rddreg [dreg:$0x3]  }
0x59: {  	s9 =	sadd.s32 @!p0 $0x3, s20;
	s7 =	sshll.u32 @p1 s25, $0x7;
	s0 =	sadd.s32 @p2 s2, s0  }
0x5a: {  	[hbm4b:s0+s3] =	stream.linear.scatter @p2 [tilespmem:s28], [sflag:s6], $0x8000, $0x200038;
	[tilespmem:$0x10200] =	vst v63  }
0x5b: {  	s2 =	sadd.s32 @p1 s5, s21;
	s0 =	sshll.u32 @p1 s25, $0xE;
	_ =	strace @p2 $0x9000004C  }
0x5c: {  	s2 =	sshll.u32 @p1 s2, $0xB;
	s3 =	sand.u32 @p1 $0x380, s7;
	_ =	strace @!p0 $0x8000004D  }
0x5d: {  	s6 =	simm.s32 @p1 $0x80;
	s0 =	sand.u32 @p1 $0xFFFE0000, s0;
	_ =	swait.ge @!p0 [sflag:s9], $0x8000  }
0x5e: {  	s7 =	simm.s32 @p1 $0x400;
	s0 =	sadd.s32 @p1 s2, s0;
	[sflag:s9] =	ssyncset.done @!p0 $0x0  }
0x5f: {  	s2 =	sand.u32 @p1 $0x1, s18;
	s0 =	sor.u32 @p1 s3, s0;
	[sflag:s9] =	ssyncadd.s32 @!p0 $0xFFFF8000  }
0x60: {  	s3 =	sshll.u32 @p1 s2, $0x8;
	s0 =	sshrl.u32 @p1 s0, $0x3;
	_ =	strace @!p0 $0x9000004D  }
0x61: {  	s2 =	sadd.s32 @p1 $0x1, s2;
	s0 =	sadd.s32 @p1 s1, s0;
	_ =	strace @p1 $0x80000049  }
0x62: {  	[tilespmem:s3], [sflag:s2] =	stream.strided.gather @p1 [hbm4b:s0+s6], $0x100, s7, s6, $0x200038;
	[tilespmem:$0x10200] =	vst v63  }
0x63: {  	s25 =	sand.u32 $0x1, s22;
	_ =	strace @p1 $0x90000049  }
0x64: {  	s0 =	sadd.s32 $0x1, s25;
	_ =	strace $0x8000004A  }
0x65: {  	_ =	swait.ge [sflag:s0], $0x100  }
0x66: {  	s26 =	sadd.s32 s29, s23;
	[sflag:s0] =	ssyncset.done $0x0  }
0x67: {  	s2 =	sand.u32 $0x1, s26;
	[sflag:s0] =	ssyncadd.s32 $0xFFFFFF00  }
0x68: {  	s28 =	sshll.u32 s22, $0x8;
	s29 =	sshll.u32 s2, $0xF;
	_ =	strace $0x9000004A  }
0x69: {  	s6 =	sor.u32 $0x200, s29;
	s0 =	sand.u32 $0x100, s28;
	_ =	strace $0x8000004B  }
0x6a: {  	[tilespmem:s6], [sflag:$0x5] =	stream.indirect.gather [hbm4b:s4+s8], $0x80, s0, s8, $0x2000b8;
	[tilespmem:$0x10200] =	vst v63  }
0x6b: {  	_ =	swait.ge [sflag:s11], $0x4000  }
0x6c: {  	[sflag:s11] =	ssyncset.done $0x0  }
0x6d: {  	s3 =	sor.u32 $0x4200, s29;
	s0 =	sor.u32 $0x80, s0;
	[sflag:s11] =	ssyncadd.s32 $0xFFFFC000  }
0x6e: {  	[tilespmem:s3], [sflag:$0x5] =	stream.indirect.gather [hbm4b:s4+s8], $0x80, s0, s8, $0x2000b8;
	[tilespmem:$0x10200] =	vst v63  }
0x6f: {  	_ =	swait.ge [sflag:s11], $0x4000  }
0x70: {  	p6 =	seq.s32 s16, $0x1;
	[sflag:s11] =	ssyncset.done $0x0  }
0x71: {  	p1 =	por p6, p3;
	s0 =	sadd.s32 s5, s14;
	[sflag:s11] =	ssyncadd.s32 $0xFFFFC000  }
0x72: {  	s3 =	sshll.u32 @p1 s15, $0x15;
	s0 =	sshll.u32 @p1 s0, $0xF;
	_ =	strace $0x9000004B  }
0x73: {  	p0 =	por p4, p4;
	s0 =	sadd.s32 @p1 s3, s0;
	_ =	strace @p1 $0x8000004C  }
0x74: {  	s9 =	simm.s32 @p1 $0x0;
	s0 =	sshrl.u32 @p1 s0, $0x3;
	s7 =	rddreg [dreg:$0x3]  }
0x75: {  	s2 =	sadd.s32 @p1 $0x3, s2;
	s3 =	sadd.s32 s24, s17;
	s0 =	sadd.s32 @p1 s7, s0  }
0x76: {  	[hbm4b:s0+s9] =	stream.linear.scatter @p1 [tilespmem:s6], [sflag:s2], $0x8000, $0x200038;
	[tilespmem:$0x10200] =	vst v63  }
0x77: {  	s0 =	sand.u32 @!p0 $0x1, s3;
	p0 =	por p0, p0;
	_ =	strace @p1 $0x9000004C  }
0x78: {  	s0 =	sadd.s32 @!p0 $0x3, s0;
	_ =	strace @!p0 $0x8000004D  }
0x79: {  	_ =	swait.ge @!p0 [sflag:s0], $0x8000  }
0x7a: {  	[sflag:s0] =	ssyncset.done @!p0 $0x0  }
0x7b: {  	[sflag:s0] =	ssyncadd.s32 @!p0 $0xFFFF8000  }
0x7c: {  	_ =	strace @!p0 $0x9000004D  }
0x7d: {  	s30 =	simm.s32 $0x4;
	_ =	strace $0x8000004E  }
0x7e: {  	_ =	swait.ge [sflag:s30], $0x8000  }
0x7f: {  	s13 =	sadd.s32 $0x1, s13;
	s31 =	rddreg [dreg:$0x5]  }
0x80: {  	p0 =	sne.s32 s13, s31  }
.Ltmp1:
0x81: {  	_ = 	snop;
	(pc) =	sbr.rel @p0 .LBB2_1-.Ltmp1, $4  }
0x82: {  	_ = 	snop  }
0x83: {  	[sflag:s30] =	ssyncset.done $0x0  }
0x84: {  	[sflag:s30] =	ssyncadd.s32 $0xFFFF8000  }
0x85: {  	_ =	strace $0x9000004E  }
0x86: {  	_ =	sfence.sel $0x180000  }
0x87: {  	[bflag:$0x0] =	sbarrier.arrive $0xFFFF  }
0x88: {  	_ =	strace $0x90000047  }
0x89: {  	s0 =	stileid.u32;
	[bflag:$0x2] =	sbarrier.arrive $0xFFFF  }
0x8a: {  	p0 =	sne.s32 s0, $0x0;
	s0 =	rddreg [dreg:$0x2]  }
0x8b: {  	s0 =	sadd.s32 @!p0 $0x100000, s0  }
0x8c: {  	[sflag:s0] =	ssyncadd.tile.s32 @!p0 $0x1;
	_ =	shalt  }
.Lfunc_end2:
_tile_overlayer_lowered:
.L_overlay_start_2:
0x8d: {  	(tag) =	ssettag $0x2  }
0x8e: {  	s0 =	rddreg [dreg:$0x0];
	s2 =	stileid.u32  }
0x8f: {  	s1 =	rddreg [dreg:$0x1];
	p0 =	sne.s32 s2, $0x0  }
0x90: {  	s3 =	rddreg [dreg:$0x2];
	[bflag:$0x3] =	sbarrier.arrive $0xFFFF;
	s2 =	simm.s32 @!p0 $0x1C01  }
0x91: {  	[timem:s3], [sflag:s2] =	dma.local @!p0 [hbm:s0], s1  }
0x92: {  	s0 =	simm.s32 @!p0 $0x1  }
0x93: {  	_ =	swait.ge @!p0 [sflag:s0], s1  }
0x94: {  	s1 =	ssub.s32 @!p0 $0x0, s1;
	[sflag:s0] =	ssyncset.done @!p0 $0x0  }
0x95: {  	[sflag:s0] =	ssyncadd.s32 @!p0 s1  }
0x96: {  	[bflag:$0x3] =	sbarrier.arrive $0xFFFF  }
0x97: {  	_ =	shalt  }

</sc_bundles>
